<compile_context>
chip_gen: v7x
topology: tpu7x:2x2x1
jax: 0.10.2.dev20260603
libtpu: 0.0.44.dev20260713+nightly
codegen_flags: <defaults>
</compile_context>

<pallas_src>
import functools

import jax
import jax.numpy as jnp
from jax import lax
from jax.experimental import pallas as pl
from jax.experimental.pallas import tpu as pltpu
from jax.experimental.pallas import tpu_sc as plsc

B, E, N, D = 2, 160000, 10000, 128
NS = 16
CHUNK = 160
SUB = 20
SUBS = CHUNK // SUB
NCHUNK = E // CHUNK
KFULL = NCHUNK // NS
NEXTRA = NCHUNK - KFULL * NS
ROWS_OUT = 624
ROWS_REM = N - NS * ROWS_OUT


def _make_scatter_kernel():
    mesh = plsc.VectorSubcoreMesh(core_axis_name="c", subcore_axis_name="s")

    @functools.partial(
        pl.kernel,
        mesh=mesh,
        out_type=jax.ShapeDtypeStruct((B, N, D), jnp.float32),
        scratch_types=[
            pltpu.VMEM((CHUNK, D), jnp.float32),
            pltpu.VMEM((CHUNK, D), jnp.float32),
            pltpu.VMEM((SUBS, SUB), jnp.int32),
            pltpu.VMEM((SUBS, SUB), jnp.int32),
            pltpu.VMEM_SHARED((N, D), jnp.float32),
            pltpu.SemaphoreType.DMA,
            pltpu.SemaphoreType.DMA,
            pltpu.SemaphoreType.DMA,
        ],
    )
    def scatter_kernel(msg_hbm, idx_hbm, out_hbm,
                       msg_v0, msg_v1, idx_v0, idx_v1, acc_sh,
                       sem_in0, sem_in1, sem_sc):
        c = lax.axis_index("c")
        s = lax.axis_index("s")
        bufs = ((msg_v0, idx_v0, sem_in0), (msg_v1, idx_v1, sem_in1))

        def chunk_id(k):
            return k * NS + s

        def issue_in(k, b):
            m = chunk_id(k)
            off = pl.multiple_of(m * CHUNK, 8)
            msg_v, idx_v, sem = bufs[b]
            pltpu.async_copy(msg_hbm.at[c, pl.ds(off, CHUNK)], msg_v, sem)
            r0 = pl.multiple_of(m * SUBS, 8)
            pltpu.async_copy(idx_hbm.at[c, pl.ds(r0, SUBS)], idx_v, sem)

        def wait_in(b):
            msg_v, idx_v, sem = bufs[b]
            pltpu.make_async_copy(msg_hbm.at[c, pl.ds(0, CHUNK)], msg_v, sem).wait()
            pltpu.make_async_copy(idx_hbm.at[c, pl.ds(0, SUBS)], idx_v, sem).wait()

        def scatter_chunk(b):
            msg_v, idx_v, _ = bufs[b]
            handles = [
                pltpu.async_copy(
                    msg_v.at[pl.ds(j * SUB, SUB)],
                    acc_sh.at[idx_v.at[j]],
                    sem_sc,
                    add=True,
                )
                for j in range(SUBS)
            ]
            for h in handles:
                h.wait()

        issue_in(0, 0)
        zero16 = jnp.zeros((16,), jnp.float32)

        def zrow(r, _):
            for j in range(D // 16):
                msg_v1[r, pl.ds(j * 16, 16)] = zero16
            return _

        lax.fori_loop(0, CHUNK, zrow, None)
        zbase = pl.multiple_of(s * ROWS_OUT, 8)
        zhandles = []
        for q in range(ROWS_OUT // CHUNK):
            zhandles.append(pltpu.async_copy(
                msg_v1.at[pl.ds(0, CHUNK)],
                acc_sh.at[pl.ds(zbase + q * CHUNK, CHUNK)],
                sem_sc,
            ))
        ztail = ROWS_OUT % CHUNK
        if ztail:
            zhandles.append(pltpu.async_copy(
                msg_v1.at[pl.ds(0, ztail)],
                acc_sh.at[pl.ds(zbase + ROWS_OUT - ztail, ztail)],
                sem_sc,
            ))

        @pl.when(s == NS - 1)
        def _():
            pltpu.async_copy(
                msg_v1.at[pl.ds(0, ROWS_REM)],
                acc_sh.at[pl.ds(NS * ROWS_OUT, ROWS_REM)],
                sem_sc,
            ).wait()

        for h in zhandles:
            h.wait()

        issue_in(1, 1)
        plsc.subcore_barrier()

        def process(k, b, next_k):
            wait_in(b)
            scatter_chunk(b)
            if next_k is not None:
                if isinstance(next_k, tuple):
                    nk, pred = next_k

                    @pl.when(pred)
                    def _():
                        issue_in(nk, b)
                else:
                    issue_in(next_k, b)

        def pair_body(t, _):
            k0 = t * 2
            k1 = t * 2 + 1
            nk0 = k0 + 2
            process(k0, 0, (nk0, (nk0 < KFULL) | ((nk0 == KFULL) & (s < NEXTRA))))
            nk1 = k1 + 2
            process(k1, 1, (nk1, nk1 < KFULL))
            return _

        lax.fori_loop(0, KFULL // 2, pair_body, None)

        @pl.when(s < NEXTRA)
        def _():
            process(KFULL, 0, None)

        plsc.subcore_barrier()

        obase = pl.multiple_of(s * ROWS_OUT, 8)
        pltpu.sync_copy(
            acc_sh.at[pl.ds(obase, ROWS_OUT)],
            out_hbm.at[c, pl.ds(obase, ROWS_OUT)],
        )

        @pl.when(s == NS - 1)
        def _():
            pltpu.sync_copy(
                acc_sh.at[pl.ds(NS * ROWS_OUT, ROWS_REM)],
                out_hbm.at[c, pl.ds(NS * ROWS_OUT, ROWS_REM)],
            )

    return scatter_kernel


_scatter = _make_scatter_kernel()


def kernel(messages, tgt_indices, atom_features_ref):
    del atom_features_ref
    idx3 = tgt_indices.reshape(B, E // SUB, SUB)
    return _scatter(messages, idx3)

# --- scband reference (transcript-rebuilt; emitter-appended) ---
"""Pipeline reference for scband-reduce-30726196036189 (READ-ONLY COPY).

The authoritative reference and input builder live on the scoring server;
editing this copy changes nothing except your own understanding.
"""

import jax, jax.numpy as jnp
import numpy as np

B, E, N, D = 2, 160000, 10000, 128

def setup_inputs(seed: int = 0) -> dict:
    key = jax.random.key(seed)
    k1, k2, k3 = jax.random.split(key, 3)
    messages = jax.random.normal(k1, (B, E, D), dtype=jnp.float32)
    tgt_indices = jax.random.randint(k2, (B, E), 0, N, dtype=jnp.int32)
    atom_features_ref = jax.random.normal(k3, (B, N, D), dtype=jnp.float32)
    return {"messages": messages, "tgt_indices": tgt_indices, "atom_features_ref": atom_features_ref}

def reference(messages, tgt_indices, atom_features_ref):
    # Batched scatter-add of edge messages onto target atoms (sum reduction),
    # faithful to tf.scatter_nd with (batch_idx, tgt_idx) index pairs.
    b, e, d = messages.shape
    n = atom_features_ref.shape[1]
    batch_idx = jnp.broadcast_to(jnp.arange(b, dtype=jnp.int32)[:, None], (b, e))
    aggregated = jnp.zeros((b, n, d), dtype=messages.dtype)
    aggregated = aggregated.at[batch_idx, tgt_indices].add(messages)
    return aggregated

if __name__ == "__main__":
    import jax
    _d = setup_inputs()
    print(jax.jit(kernel)(*tuple(_d.values())))

</pallas_src>

<mosaic_0001>
#map = affine_map<(d0, d1) -> (0, 0, 0)>
module attributes {stable_mosaic.version = 14 : i64} {
  func.func @scatter_kernel(%arg0: i32, %arg1: i32, %arg2: memref<2x160000x128xf32, #tpu.memory_space<hbm>>, %arg3: memref<2x8000x20xi32, #tpu.memory_space<hbm>>, %arg4: memref<2x10000x128xf32, #tpu.memory_space<hbm>>, %arg5: memref<160x128xf32, #tpu.memory_space<vmem>>, %arg6: memref<160x128xf32, #tpu.memory_space<vmem>>, %arg7: memref<8x20xi32, #tpu.memory_space<vmem>>, %arg8: memref<8x20xi32, #tpu.memory_space<vmem>>, %arg9: memref<10000x128xf32, #tpu.memory_space<vmem_shared>>, %arg10: memref<!tpu.dma_semaphore, #tpu.memory_space<semaphore_mem>>, %arg11: memref<!tpu.dma_semaphore, #tpu.memory_space<semaphore_mem>>, %arg12: memref<!tpu.dma_semaphore, #tpu.memory_space<semaphore_mem>>) attributes {dimension_semantics = [#tpu.dimension_semantics<core_parallel>, #tpu.dimension_semantics<subcore_parallel>], iteration_bounds = array<i64: 2, 16>, scalar_prefetch = 0 : i64, scratch_operands = 8 : i64, tpu.core_type = #tpu.core_type<sc_vector_subcore>, window_params = [{transform_indices = #map}, {transform_indices = #map}, {transform_indices = #map}]} {
    %add3A = arith.constant 0 : i32
    %add3A_0 = arith.addi %add3A, %arg1 : i32
    %mul3A = arith.constant 160 : i32
    %mul3A_1 = arith.muli %add3A_0, %mul3A : i32
    %multiple_of3A = tpu.assume_multiple %mul3A_1, 8 : i32
    %dma_start3A = arith.constant 0 : i32
    %dma_start3A_2 = tpu.memref_slice %arg2[%arg0, %multiple_of3A, %dma_start3A] : memref<2x160000x128xf32, #tpu.memory_space<hbm>> -> memref<1x160x128xf32, #tpu.memory_space<hbm>>
    %dma_start3A_3 = tpu.memref_squeeze %dma_start3A_2 : memref<1x160x128xf32, #tpu.memory_space<hbm>> -> memref<160x128xf32, #tpu.memory_space<hbm>>
    %dma_start3A_4 = arith.constant 0 : i32
    %dma_start3A_5 = tpu.memref_slice %arg2[%arg0, %multiple_of3A, %dma_start3A_4] : memref<2x160000x128xf32, #tpu.memory_space<hbm>> -> memref<1x160x128xf32, #tpu.memory_space<hbm>>
    %dma_start3A_6 = tpu.memref_squeeze %dma_start3A_5 : memref<1x160x128xf32, #tpu.memory_space<hbm>> -> memref<160x128xf32, #tpu.memory_space<hbm>>
    tpu.enqueue_dma source(%dma_start3A_6 : memref<160x128xf32, #tpu.memory_space<hbm>>) target(%arg5 : memref<160x128xf32, #tpu.memory_space<vmem>>) target_semaphore(%arg10 : memref<!tpu.dma_semaphore, #tpu.memory_space<semaphore_mem>>)
    %mul3A_7 = arith.constant 8 : i32
    %mul3A_8 = arith.muli %add3A_0, %mul3A_7 : i32
    %multiple_of3A_9 = tpu.assume_multiple %mul3A_8, 8 : i32
    %dma_start3A_10 = arith.constant 0 : i32
    %dma_start3A_11 = tpu.memref_slice %arg3[%arg0, %multiple_of3A_9, %dma_start3A_10] : memref<2x8000x20xi32, #tpu.memory_space<hbm>> -> memref<1x8x20xi32, #tpu.memory_space<hbm>>
    %dma_start3A_12 = tpu.memref_squeeze %dma_start3A_11 : memref<1x8x20xi32, #tpu.memory_space<hbm>> -> memref<8x20xi32, #tpu.memory_space<hbm>>
    %dma_start3A_13 = arith.constant 0 : i32
    %dma_start3A_14 = tpu.memref_slice %arg3[%arg0, %multiple_of3A_9, %dma_start3A_13] : memref<2x8000x20xi32, #tpu.memory_space<hbm>> -> memref<1x8x20xi32, #tpu.memory_space<hbm>>
    %dma_start3A_15 = tpu.memref_squeeze %dma_start3A_14 : memref<1x8x20xi32, #tpu.memory_space<hbm>> -> memref<8x20xi32, #tpu.memory_space<hbm>>
    tpu.enqueue_dma source(%dma_start3A_15 : memref<8x20xi32, #tpu.memory_space<hbm>>) target(%arg7 : memref<8x20xi32, #tpu.memory_space<vmem>>) target_semaphore(%arg10 : memref<!tpu.dma_semaphore, #tpu.memory_space<semaphore_mem>>)
    %broadcast_in_dim3A = arith.constant 0.000000e+00 : f32
    %broadcast_in_dim3A_16 = vector.broadcast %broadcast_in_dim3A : f32 to vector<16xf32>
    %scan3A = arith.constant 0 : i32
    %scan3A_17 = arith.constant 160 : i32
    %scan3A_18 = arith.addi %scan3A, %scan3A_17 : i32
    %scan3A_19 = arith.constant 1 : i32
    scf.for %scan3A_152 = %scan3A to %scan3A_18 step %scan3A_19  : i32 {
      %swap3A = arith.index_cast %scan3A_152 : i32 to index
      %swap3A_153 = arith.constant 0 : index
      %swap3A_154 = tpu.vector_load %arg6[%swap3A, %swap3A_153] {strides = array<i32>} : memref<160x128xf32, #tpu.memory_space<vmem>>, vector<1x16xf32>,
      %swap3A_155 = vector.shape_cast %swap3A_154 : vector<1x16xf32> to vector<16xf32>
      %swap3A_156 = vector.shape_cast %broadcast_in_dim3A_16 : vector<16xf32> to vector<1x16xf32>
      tpu.vector_store %arg6[%swap3A, %swap3A_153], %swap3A_156 {strides = array<i32>} : memref<160x128xf32, #tpu.memory_space<vmem>>, vector<1x16xf32>,
      %swap3A_157 = arith.index_cast %scan3A_152 : i32 to index
      %swap3A_158 = arith.constant 16 : index
      %swap3A_159 = tpu.vector_load %arg6[%swap3A_157, %swap3A_158] {strides = array<i32>} : memref<160x128xf32, #tpu.memory_space<vmem>>, vector<1x16xf32>,
      %swap3A_160 = vector.shape_cast %swap3A_159 : vector<1x16xf32> to vector<16xf32>
      %swap3A_161 = vector.shape_cast %broadcast_in_dim3A_16 : vector<16xf32> to vector<1x16xf32>
      tpu.vector_store %arg6[%swap3A_157, %swap3A_158], %swap3A_161 {strides = array<i32>} : memref<160x128xf32, #tpu.memory_space<vmem>>, vector<1x16xf32>,
      %swap3A_162 = arith.index_cast %scan3A_152 : i32 to index
      %swap3A_163 = arith.constant 32 : index
      %swap3A_164 = tpu.vector_load %arg6[%swap3A_162, %swap3A_163] {strides = array<i32>} : memref<160x128xf32, #tpu.memory_space<vmem>>, vector<1x16xf32>,
      %swap3A_165 = vector.shape_cast %swap3A_164 : vector<1x16xf32> to vector<16xf32>
      %swap3A_166 = vector.shape_cast %broadcast_in_dim3A_16 : vector<16xf32> to vector<1x16xf32>
      tpu.vector_store %arg6[%swap3A_162, %swap3A_163], %swap3A_166 {strides = array<i32>} : memref<160x128xf32, #tpu.memory_space<vmem>>, vector<1x16xf32>,
      %swap3A_167 = arith.index_cast %scan3A_152 : i32 to index
      %swap3A_168 = arith.constant 48 : index
      %swap3A_169 = tpu.vector_load %arg6[%swap3A_167, %swap3A_168] {strides = array<i32>} : memref<160x128xf32, #tpu.memory_space<vmem>>, vector<1x16xf32>,
      %swap3A_170 = vector.shape_cast %swap3A_169 : vector<1x16xf32> to vector<16xf32>
      %swap3A_171 = vector.shape_cast %broadcast_in_dim3A_16 : vector<16xf32> to vector<1x16xf32>
      tpu.vector_store %arg6[%swap3A_167, %swap3A_168], %swap3A_171 {strides = array<i32>} : memref<160x128xf32, #tpu.memory_space<vmem>>, vector<1x16xf32>,
      %swap3A_172 = arith.index_cast %scan3A_152 : i32 to index
      %swap3A_173 = arith.constant 64 : index
      %swap3A_174 = tpu.vector_load %arg6[%swap3A_172, %swap3A_173] {strides = array<i32>} : memref<160x128xf32, #tpu.memory_space<vmem>>, vector<1x16xf32>,
      %swap3A_175 = vector.shape_cast %swap3A_174 : vector<1x16xf32> to vector<16xf32>
      %swap3A_176 = vector.shape_cast %broadcast_in_dim3A_16 : vector<16xf32> to vector<1x16xf32>
      tpu.vector_store %arg6[%swap3A_172, %swap3A_173], %swap3A_176 {strides = array<i32>} : memref<160x128xf32, #tpu.memory_space<vmem>>, vector<1x16xf32>,
      %swap3A_177 = arith.index_cast %scan3A_152 : i32 to index
      %swap3A_178 = arith.constant 80 : index
      %swap3A_179 = tpu.vector_load %arg6[%swap3A_177, %swap3A_178] {strides = array<i32>} : memref<160x128xf32, #tpu.memory_space<vmem>>, vector<1x16xf32>,
      %swap3A_180 = vector.shape_cast %swap3A_179 : vector<1x16xf32> to vector<16xf32>
      %swap3A_181 = vector.shape_cast %broadcast_in_dim3A_16 : vector<16xf32> to vector<1x16xf32>
      tpu.vector_store %arg6[%swap3A_177, %swap3A_178], %swap3A_181 {strides = array<i32>} : memref<160x128xf32, #tpu.memory_space<vmem>>, vector<1x16xf32>,
      %swap3A_182 = arith.index_cast %scan3A_152 : i32 to index
      %swap3A_183 = arith.constant 96 : index
      %swap3A_184 = tpu.vector_load %arg6[%swap3A_182, %swap3A_183] {strides = array<i32>} : memref<160x128xf32, #tpu.memory_space<vmem>>, vector<1x16xf32>,
      %swap3A_185 = vector.shape_cast %swap3A_184 : vector<1x16xf32> to vector<16xf32>
      %swap3A_186 = vector.shape_cast %broadcast_in_dim3A_16 : vector<16xf32> to vector<1x16xf32>
      tpu.vector_store %arg6[%swap3A_182, %swap3A_183], %swap3A_186 {strides = array<i32>} : memref<160x128xf32, #tpu.memory_space<vmem>>, vector<1x16xf32>,
      %swap3A_187 = arith.index_cast %scan3A_152 : i32 to index
      %swap3A_188 = arith.constant 112 : index
      %swap3A_189 = tpu.vector_load %arg6[%swap3A_187, %swap3A_188] {strides = array<i32>} : memref<160x128xf32, #tpu.memory_space<vmem>>, vector<1x16xf32>,
      %swap3A_190 = vector.shape_cast %swap3A_189 : vector<1x16xf32> to vector<16xf32>
      %swap3A_191 = vector.shape_cast %broadcast_in_dim3A_16 : vector<16xf32> to vector<1x16xf32>
      tpu.vector_store %arg6[%swap3A_187, %swap3A_188], %swap3A_191 {strides = array<i32>} : memref<160x128xf32, #tpu.memory_space<vmem>>, vector<1x16xf32>,
    }
    %scan3A_20 = arith.constant 160 : i32
    %mul3A_21 = arith.constant 624 : i32
    %mul3A_22 = arith.muli %arg1, %mul3A_21 : i32
    %multiple_of3A_23 = tpu.assume_multiple %mul3A_22, 8 : i32
    %add3A_24 = arith.constant 0 : i32
    %add3A_25 = arith.addi %multiple_of3A_23, %add3A_24 : i32
    %dma_start3A_26 = arith.constant 0 : i32
    %dma_start3A_27 = arith.constant 0 : i32
    %dma_start3A_28 = tpu.memref_slice %arg6[%dma_start3A_26, %dma_start3A_27] : memref<160x128xf32, #tpu.memory_space<vmem>> -> memref<160x128xf32, #tpu.memory_space<vmem>>
    %dma_start3A_29 = arith.constant 0 : i32
    %dma_start3A_30 = tpu.memref_slice %arg9[%add3A_25, %dma_start3A_29] : memref<10000x128xf32, #tpu.memory_space<vmem_shared>> -> memref<160x128xf32, #tpu.memory_space<vmem_shared>>
    %dma_start3A_31 = arith.constant 0 : i32
    %dma_start3A_32 = tpu.memref_slice %arg9[%add3A_25, %dma_start3A_31] : memref<10000x128xf32, #tpu.memory_space<vmem_shared>> -> memref<160x128xf32, #tpu.memory_space<vmem_shared>>
    %dma_start3A_33 = arith.constant 0 : i32
    %dma_start3A_34 = arith.constant 0 : i32
    %dma_start3A_35 = tpu.memref_slice %arg6[%dma_start3A_33, %dma_start3A_34] : memref<160x128xf32, #tpu.memory_space<vmem>> -> memref<160x128xf32, #tpu.memory_space<vmem>>
    tpu.enqueue_dma source(%dma_start3A_35 : memref<160x128xf32, #tpu.memory_space<vmem>>) target(%dma_start3A_32 : memref<160x128xf32, #tpu.memory_space<vmem_shared>>) target_semaphore(%arg12 : memref<!tpu.dma_semaphore, #tpu.memory_space<semaphore_mem>>)
    %add3A_36 = arith.constant 160 : i32
    %add3A_37 = arith.addi %multiple_of3A_23, %add3A_36 : i32
    %dma_start3A_38 = arith.constant 0 : i32
    %dma_start3A_39 = arith.constant 0 : i32
    %dma_start3A_40 = tpu.memref_slice %arg6[%dma_start3A_38, %dma_start3A_39] : memref<160x128xf32, #tpu.memory_space<vmem>> -> memref<160x128xf32, #tpu.memory_space<vmem>>
    %dma_start3A_41 = arith.constant 0 : i32
    %dma_start3A_42 = tpu.memref_slice %arg9[%add3A_37, %dma_start3A_41] : memref<10000x128xf32, #tpu.memory_space<vmem_shared>> -> memref<160x128xf32, #tpu.memory_space<vmem_shared>>
    %dma_start3A_43 = arith.constant 0 : i32
    %dma_start3A_44 = tpu.memref_slice %arg9[%add3A_37, %dma_start3A_43] : memref<10000x128xf32, #tpu.memory_space<vmem_shared>> -> memref<160x128xf32, #tpu.memory_space<vmem_shared>>
    %dma_start3A_45 = arith.constant 0 : i32
    %dma_start3A_46 = arith.constant 0 : i32
    %dma_start3A_47 = tpu.memref_slice %arg6[%dma_start3A_45, %dma_start3A_46] : memref<160x128xf32, #tpu.memory_space<vmem>> -> memref<160x128xf32, #tpu.memory_space<vmem>>
    tpu.enqueue_dma source(%dma_start3A_47 : memref<160x128xf32, #tpu.memory_space<vmem>>) target(%dma_start3A_44 : memref<160x128xf32, #tpu.memory_space<vmem_shared>>) target_semaphore(%arg12 : memref<!tpu.dma_semaphore, #tpu.memory_space<semaphore_mem>>)
    %add3A_48 = arith.constant 320 : i32
    %add3A_49 = arith.addi %multiple_of3A_23, %add3A_48 : i32
    %dma_start3A_50 = arith.constant 0 : i32
    %dma_start3A_51 = arith.constant 0 : i32
    %dma_start3A_52 = tpu.memref_slice %arg6[%dma_start3A_50, %dma_start3A_51] : memref<160x128xf32, #tpu.memory_space<vmem>> -> memref<160x128xf32, #tpu.memory_space<vmem>>
    %dma_start3A_53 = arith.constant 0 : i32
    %dma_start3A_54 = tpu.memref_slice %arg9[%add3A_49, %dma_start3A_53] : memref<10000x128xf32, #tpu.memory_space<vmem_shared>> -> memref<160x128xf32, #tpu.memory_space<vmem_shared>>
    %dma_start3A_55 = arith.constant 0 : i32
    %dma_start3A_56 = tpu.memref_slice %arg9[%add3A_49, %dma_start3A_55] : memref<10000x128xf32, #tpu.memory_space<vmem_shared>> -> memref<160x128xf32, #tpu.memory_space<vmem_shared>>
    %dma_start3A_57 = arith.constant 0 : i32
    %dma_start3A_58 = arith.constant 0 : i32
    %dma_start3A_59 = tpu.memref_slice %arg6[%dma_start3A_57, %dma_start3A_58] : memref<160x128xf32, #tpu.memory_space<vmem>> -> memref<160x128xf32, #tpu.memory_space<vmem>>
    tpu.enqueue_dma source(%dma_start3A_59 : memref<160x128xf32, #tpu.memory_space<vmem>>) target(%dma_start3A_56 : memref<160x128xf32, #tpu.memory_space<vmem_shared>>) target_semaphore(%arg12 : memref<!tpu.dma_semaphore, #tpu.memory_space<semaphore_mem>>)
    %add3A_60 = arith.constant 624 : i32
    %add3A_61 = arith.addi %multiple_of3A_23, %add3A_60 : i32
    %sub3A = arith.constant 144 : i32
    %sub3A_62 = arith.subi %add3A_61, %sub3A : i32
    %dma_start3A_63 = arith.constant 0 : i32
    %dma_start3A_64 = arith.constant 0 : i32
    %dma_start3A_65 = tpu.memref_slice %arg6[%dma_start3A_63, %dma_start3A_64] : memref<160x128xf32, #tpu.memory_space<vmem>> -> memref<144x128xf32, #tpu.memory_space<vmem>>
    %dma_start3A_66 = arith.constant 0 : i32
    %dma_start3A_67 = tpu.memref_slice %arg9[%sub3A_62, %dma_start3A_66] : memref<10000x128xf32, #tpu.memory_space<vmem_shared>> -> memref<144x128xf32, #tpu.memory_space<vmem_shared>>
    %dma_start3A_68 = arith.constant 0 : i32
    %dma_start3A_69 = tpu.memref_slice %arg9[%sub3A_62, %dma_start3A_68] : memref<10000x128xf32, #tpu.memory_space<vmem_shared>> -> memref<144x128xf32, #tpu.memory_space<vmem_shared>>
    %dma_start3A_70 = arith.constant 0 : i32
    %dma_start3A_71 = arith.constant 0 : i32
    %dma_start3A_72 = tpu.memref_slice %arg6[%dma_start3A_70, %dma_start3A_71] : memref<160x128xf32, #tpu.memory_space<vmem>> -> memref<144x128xf32, #tpu.memory_space<vmem>>
    tpu.enqueue_dma source(%dma_start3A_72 : memref<144x128xf32, #tpu.memory_space<vmem>>) target(%dma_start3A_69 : memref<144x128xf32, #tpu.memory_space<vmem_shared>>) target_semaphore(%arg12 : memref<!tpu.dma_semaphore, #tpu.memory_space<semaphore_mem>>)
    %eq3A = arith.constant 15 : i32
    %eq3A_73 = arith.cmpi eq, %arg1, %eq3A : i32
    %convert_element_type3A = arith.extui %eq3A_73 : i1 to i32
    %cond3A = arith.constant 0 : i32
    %cond3A_74 = arith.cmpi ne, %convert_element_type3A, %cond3A : i32
    scf.if %cond3A_74 {
      %dma_start3A_152 = arith.constant 0 : i32
      %dma_start3A_153 = arith.constant 0 : i32
      %dma_start3A_154 = tpu.memref_slice %arg6[%dma_start3A_152, %dma_start3A_153] : memref<160x128xf32, #tpu.memory_space<vmem>> -> memref<16x128xf32, #tpu.memory_space<vmem>>
      %dma_start3A_155 = arith.constant 9984 : i32
      %dma_start3A_156 = arith.constant 0 : i32
      %dma_start3A_157 = tpu.memref_slice %arg9[%dma_start3A_155, %dma_start3A_156] : memref<10000x128xf32, #tpu.memory_space<vmem_shared>> -> memref<16x128xf32, #tpu.memory_space<vmem_shared>>
      %dma_start3A_158 = arith.constant 9984 : i32
      %dma_start3A_159 = arith.constant 0 : i32
      %dma_start3A_160 = tpu.memref_slice %arg9[%dma_start3A_158, %dma_start3A_159] : memref<10000x128xf32, #tpu.memory_space<vmem_shared>> -> memref<16x128xf32, #tpu.memory_space<vmem_shared>>
      %dma_start3A_161 = arith.constant 0 : i32
      %dma_start3A_162 = arith.constant 0 : i32
      %dma_start3A_163 = tpu.memref_slice %arg6[%dma_start3A_161, %dma_start3A_162] : memref<160x128xf32, #tpu.memory_space<vmem>> -> memref<16x128xf32, #tpu.memory_space<vmem>>
      tpu.enqueue_dma source(%dma_start3A_163 : memref<16x128xf32, #tpu.memory_space<vmem>>) target(%dma_start3A_160 : memref<16x128xf32, #tpu.memory_space<vmem_shared>>) target_semaphore(%arg12 : memref<!tpu.dma_semaphore, #tpu.memory_space<semaphore_mem>>)
      %dma_wait3A_164 = arith.constant 0 : i32
      %dma_wait3A_165 = arith.constant 0 : i32
      %dma_wait3A_166 = tpu.memref_slice %arg6[%dma_wait3A_164, %dma_wait3A_165] : memref<160x128xf32, #tpu.memory_space<vmem>> -> memref<16x128xf32, #tpu.memory_space<vmem>>
      %dma_wait3A_167 = arith.constant 9984 : i32
      %dma_wait3A_168 = arith.constant 0 : i32
      %dma_wait3A_169 = tpu.memref_slice %arg9[%dma_wait3A_167, %dma_wait3A_168] : memref<10000x128xf32, #tpu.memory_space<vmem_shared>> -> memref<16x128xf32, #tpu.memory_space<vmem_shared>>
      %dma_wait3A_170 = arith.constant 9984 : i32
      %dma_wait3A_171 = arith.constant 0 : i32
      %dma_wait3A_172 = tpu.memref_slice %arg9[%dma_wait3A_170, %dma_wait3A_171] : memref<10000x128xf32, #tpu.memory_space<vmem_shared>> -> memref<16x128xf32, #tpu.memory_space<vmem_shared>>
      %dma_wait3A_173 = arith.constant 0 : i32
      %dma_wait3A_174 = arith.constant 0 : i32
      %dma_wait3A_175 = tpu.memref_slice %arg6[%dma_wait3A_173, %dma_wait3A_174] : memref<160x128xf32, #tpu.memory_space<vmem>> -> memref<16x128xf32, #tpu.memory_space<vmem>>
      tpu.wait_dma2 semaphore(%arg12 : memref<!tpu.dma_semaphore, #tpu.memory_space<semaphore_mem>>) src(%dma_wait3A_175 : memref<16x128xf32, #tpu.memory_space<vmem>>) dst(%dma_wait3A_172 : memref<16x128xf32, #tpu.memory_space<vmem_shared>>)
    } else {
    }
    %dma_wait3A = arith.constant 0 : i32
    %dma_wait3A_75 = arith.constant 0 : i32
    %dma_wait3A_76 = tpu.memref_slice %arg6[%dma_wait3A, %dma_wait3A_75] : memref<160x128xf32, #tpu.memory_space<vmem>> -> memref<160x128xf32, #tpu.memory_space<vmem>>
    %dma_wait3A_77 = arith.constant 0 : i32
    %dma_wait3A_78 = tpu.memref_slice %arg9[%add3A_25, %dma_wait3A_77] : memref<10000x128xf32, #tpu.memory_space<vmem_shared>> -> memref<160x128xf32, #tpu.memory_space<vmem_shared>>
    %dma_wait3A_79 = arith.constant 0 : i32
    %dma_wait3A_80 = tpu.memref_slice %arg9[%add3A_25, %dma_wait3A_79] : memref<10000x128xf32, #tpu.memory_space<vmem_shared>> -> memref<160x128xf32, #tpu.memory_space<vmem_shared>>
    %dma_wait3A_81 = arith.constant 0 : i32
    %dma_wait3A_82 = arith.constant 0 : i32
    %dma_wait3A_83 = tpu.memref_slice %arg6[%dma_wait3A_81, %dma_wait3A_82] : memref<160x128xf32, #tpu.memory_space<vmem>> -> memref<160x128xf32, #tpu.memory_space<vmem>>
    tpu.wait_dma2 semaphore(%arg12 : memref<!tpu.dma_semaphore, #tpu.memory_space<semaphore_mem>>) src(%dma_wait3A_83 : memref<160x128xf32, #tpu.memory_space<vmem>>) dst(%dma_wait3A_80 : memref<160x128xf32, #tpu.memory_space<vmem_shared>>)
    %dma_wait3A_84 = arith.constant 0 : i32
    %dma_wait3A_85 = arith.constant 0 : i32
    %dma_wait3A_86 = tpu.memref_slice %arg6[%dma_wait3A_84, %dma_wait3A_85] : memref<160x128xf32, #tpu.memory_space<vmem>> -> memref<160x128xf32, #tpu.memory_space<vmem>>
    %dma_wait3A_87 = arith.constant 0 : i32
    %dma_wait3A_88 = tpu.memref_slice %arg9[%add3A_37, %dma_wait3A_87] : memref<10000x128xf32, #tpu.memory_space<vmem_shared>> -> memref<160x128xf32, #tpu.memory_space<vmem_shared>>
    %dma_wait3A_89 = arith.constant 0 : i32
    %dma_wait3A_90 = tpu.memref_slice %arg9[%add3A_37, %dma_wait3A_89] : memref<10000x128xf32, #tpu.memory_space<vmem_shared>> -> memref<160x128xf32, #tpu.memory_space<vmem_shared>>
    %dma_wait3A_91 = arith.constant 0 : i32
    %dma_wait3A_92 = arith.constant 0 : i32
    %dma_wait3A_93 = tpu.memref_slice %arg6[%dma_wait3A_91, %dma_wait3A_92] : memref<160x128xf32, #tpu.memory_space<vmem>> -> memref<160x128xf32, #tpu.memory_space<vmem>>
    tpu.wait_dma2 semaphore(%arg12 : memref<!tpu.dma_semaphore, #tpu.memory_space<semaphore_mem>>) src(%dma_wait3A_93 : memref<160x128xf32, #tpu.memory_space<vmem>>) dst(%dma_wait3A_90 : memref<160x128xf32, #tpu.memory_space<vmem_shared>>)
    %dma_wait3A_94 = arith.constant 0 : i32
    %dma_wait3A_95 = arith.constant 0 : i32
    %dma_wait3A_96 = tpu.memref_slice %arg6[%dma_wait3A_94, %dma_wait3A_95] : memref<160x128xf32, #tpu.memory_space<vmem>> -> memref<160x128xf32, #tpu.memory_space<vmem>>
    %dma_wait3A_97 = arith.constant 0 : i32
    %dma_wait3A_98 = tpu.memref_slice %arg9[%add3A_49, %dma_wait3A_97] : memref<10000x128xf32, #tpu.memory_space<vmem_shared>> -> memref<160x128xf32, #tpu.memory_space<vmem_shared>>
    %dma_wait3A_99 = arith.constant 0 : i32
    %dma_wait3A_100 = tpu.memref_slice %arg9[%add3A_49, %dma_wait3A_99] : memref<10000x128xf32, #tpu.memory_space<vmem_shared>> -> memref<160x128xf32, #tpu.memory_space<vmem_shared>>
    %dma_wait3A_101 = arith.constant 0 : i32
    %dma_wait3A_102 = arith.constant 0 : i32
    %dma_wait3A_103 = tpu.memref_slice %arg6[%dma_wait3A_101, %dma_wait3A_102] : memref<160x128xf32, #tpu.memory_space<vmem>> -> memref<160x128xf32, #tpu.memory_space<vmem>>
    tpu.wait_dma2 semaphore(%arg12 : memref<!tpu.dma_semaphore, #tpu.memory_space<semaphore_mem>>) src(%dma_wait3A_103 : memref<160x128xf32, #tpu.memory_space<vmem>>) dst(%dma_wait3A_100 : memref<160x128xf32, #tpu.memory_space<vmem_shared>>)
    %dma_wait3A_104 = arith.constant 0 : i32
    %dma_wait3A_105 = arith.constant 0 : i32
    %dma_wait3A_106 = tpu.memref_slice %arg6[%dma_wait3A_104, %dma_wait3A_105] : memref<160x128xf32, #tpu.memory_space<vmem>> -> memref<144x128xf32, #tpu.memory_space<vmem>>
    %dma_wait3A_107 = arith.constant 0 : i32
    %dma_wait3A_108 = tpu.memref_slice %arg9[%sub3A_62, %dma_wait3A_107] : memref<10000x128xf32, #tpu.memory_space<vmem_shared>> -> memref<144x128xf32, #tpu.memory_space<vmem_shared>>
    %dma_wait3A_109 = arith.constant 0 : i32
    %dma_wait3A_110 = tpu.memref_slice %arg9[%sub3A_62, %dma_wait3A_109] : memref<10000x128xf32, #tpu.memory_space<vmem_shared>> -> memref<144x128xf32, #tpu.memory_space<vmem_shared>>
    %dma_wait3A_111 = arith.constant 0 : i32
    %dma_wait3A_112 = arith.constant 0 : i32
    %dma_wait3A_113 = tpu.memref_slice %arg6[%dma_wait3A_111, %dma_wait3A_112] : memref<160x128xf32, #tpu.memory_space<vmem>> -> memref<144x128xf32, #tpu.memory_space<vmem>>
    tpu.wait_dma2 semaphore(%arg12 : memref<!tpu.dma_semaphore, #tpu.memory_space<semaphore_mem>>) src(%dma_wait3A_113 : memref<144x128xf32, #tpu.memory_space<vmem>>) dst(%dma_wait3A_110 : memref<144x128xf32, #tpu.memory_space<vmem_shared>>)
    %add3A_114 = arith.constant 16 : i32
    %add3A_115 = arith.addi %add3A_114, %arg1 : i32
    %mul3A_116 = arith.constant 160 : i32
    %mul3A_117 = arith.muli %add3A_115, %mul3A_116 : i32
    %multiple_of3A_118 = tpu.assume_multiple %mul3A_117, 8 : i32
    %dma_start3A_119 = arith.constant 0 : i32
    %dma_start3A_120 = tpu.memref_slice %arg2[%arg0, %multiple_of3A_118, %dma_start3A_119] : memref<2x160000x128xf32, #tpu.memory_space<hbm>> -> memref<1x160x128xf32, #tpu.memory_space<hbm>>
    %dma_start3A_121 = tpu.memref_squeeze %dma_start3A_120 : memref<1x160x128xf32, #tpu.memory_space<hbm>> -> memref<160x128xf32, #tpu.memory_space<hbm>>
    %dma_start3A_122 = arith.constant 0 : i32
    %dma_start3A_123 = tpu.memref_slice %arg2[%arg0, %multiple_of3A_118, %dma_start3A_122] : memref<2x160000x128xf32, #tpu.memory_space<hbm>> -> memref<1x160x128xf32, #tpu.memory_space<hbm>>
    %dma_start3A_124 = tpu.memref_squeeze %dma_start3A_123 : memref<1x160x128xf32, #tpu.memory_space<hbm>> -> memref<160x128xf32, #tpu.memory_space<hbm>>
    tpu.enqueue_dma source(%dma_start3A_124 : memref<160x128xf32, #tpu.memory_space<hbm>>) target(%arg6 : memref<160x128xf32, #tpu.memory_space<vmem>>) target_semaphore(%arg11 : memref<!tpu.dma_semaphore, #tpu.memory_space<semaphore_mem>>)
    %mul3A_125 = arith.constant 8 : i32
    %mul3A_126 = arith.muli %add3A_115, %mul3A_125 : i32
    %multiple_of3A_127 = tpu.assume_multiple %mul3A_126, 8 : i32
    %dma_start3A_128 = arith.constant 0 : i32
    %dma_start3A_129 = tpu.memref_slice %arg3[%arg0, %multiple_of3A_127, %dma_start3A_128] : memref<2x8000x20xi32, #tpu.memory_space<hbm>> -> memref<1x8x20xi32, #tpu.memory_space<hbm>>
    %dma_start3A_130 = tpu.memref_squeeze %dma_start3A_129 : memref<1x8x20xi32, #tpu.memory_space<hbm>> -> memref<8x20xi32, #tpu.memory_space<hbm>>
    %dma_start3A_131 = arith.constant 0 : i32
    %dma_start3A_132 = tpu.memref_slice %arg3[%arg0, %multiple_of3A_127, %dma_start3A_131] : memref<2x8000x20xi32, #tpu.memory_space<hbm>> -> memref<1x8x20xi32, #tpu.memory_space<hbm>>
    %dma_start3A_133 = tpu.memref_squeeze %dma_start3A_132 : memref<1x8x20xi32, #tpu.memory_space<hbm>> -> memref<8x20xi32, #tpu.memory_space<hbm>>
    tpu.enqueue_dma source(%dma_start3A_133 : memref<8x20xi32, #tpu.memory_space<hbm>>) target(%arg8 : memref<8x20xi32, #tpu.memory_space<vmem>>) target_semaphore(%arg11 : memref<!tpu.dma_semaphore, #tpu.memory_space<semaphore_mem>>)
    %barrier3A = arith.constant 0 : index
    tpu.barrier barrier_id(%barrier3A)
    %scan3A_134 = arith.constant 0 : i32
    %scan3A_135 = arith.constant 31 : i32
    %scan3A_136 = arith.addi %scan3A_134, %scan3A_135 : i32
    %scan3A_137 = arith.constant 1 : i32
    scf.for %scan3A_152 = %scan3A_134 to %scan3A_136 step %scan3A_137  : i32 {
      %mul3A_153 = arith.constant 2 : i32
      %mul3A_154 = arith.muli %scan3A_152, %mul3A_153 : i32
      %mul3A_155 = arith.constant 2 : i32
      %mul3A_156 = arith.muli %scan3A_152, %mul3A_155 : i32
      %add3A_157 = arith.constant 1 : i32
      %add3A_158 = arith.addi %mul3A_156, %add3A_157 : i32
      %add3A_159 = arith.constant 2 : i32
      %add3A_160 = arith.addi %mul3A_154, %add3A_159 : i32
      %lt3A_161 = arith.constant 62 : i32
      %lt3A_162 = arith.cmpi slt, %add3A_160, %lt3A_161 : i32
      %eq3A_163 = arith.constant 62 : i32
      %eq3A_164 = arith.cmpi eq, %add3A_160, %eq3A_163 : i32
      %lt3A_165 = arith.constant 8 : i32
      %lt3A_166 = arith.cmpi slt, %arg1, %lt3A_165 : i32
      %and3A = arith.andi %eq3A_164, %lt3A_166 : i1
      %or3A = arith.ori %lt3A_162, %and3A : i1
      %dma_wait3A_167 = arith.constant 0 : i32
      %dma_wait3A_168 = arith.constant 0 : i32
      %dma_wait3A_169 = tpu.memref_slice %arg2[%arg0, %dma_wait3A_167, %dma_wait3A_168] : memref<2x160000x128xf32, #tpu.memory_space<hbm>> -> memref<1x160x128xf32, #tpu.memory_space<hbm>>
      %dma_wait3A_170 = tpu.memref_squeeze %dma_wait3A_169 : memref<1x160x128xf32, #tpu.memory_space<hbm>> -> memref<160x128xf32, #tpu.memory_space<hbm>>
      %dma_wait3A_171 = arith.constant 0 : i32
      %dma_wait3A_172 = arith.constant 0 : i32
      %dma_wait3A_173 = tpu.memref_slice %arg2[%arg0, %dma_wait3A_171, %dma_wait3A_172] : memref<2x160000x128xf32, #tpu.memory_space<hbm>> -> memref<1x160x128xf32, #tpu.memory_space<hbm>>
      %dma_wait3A_174 = tpu.memref_squeeze %dma_wait3A_173 : memref<1x160x128xf32, #tpu.memory_space<hbm>> -> memref<160x128xf32, #tpu.memory_space<hbm>>
      tpu.wait_dma2 semaphore(%arg10 : memref<!tpu.dma_semaphore, #tpu.memory_space<semaphore_mem>>) src(%dma_wait3A_174 : memref<160x128xf32, #tpu.memory_space<hbm>>) dst(%arg5 : memref<160x128xf32, #tpu.memory_space<vmem>>)
      %dma_wait3A_175 = arith.constant 0 : i32
      %dma_wait3A_176 = arith.constant 0 : i32
      %dma_wait3A_177 = tpu.memref_slice %arg3[%arg0, %dma_wait3A_175, %dma_wait3A_176] : memref<2x8000x20xi32, #tpu.memory_space<hbm>> -> memref<1x8x20xi32, #tpu.memory_space<hbm>>
      %dma_wait3A_178 = tpu.memref_squeeze %dma_wait3A_177 : memref<1x8x20xi32, #tpu.memory_space<hbm>> -> memref<8x20xi32, #tpu.memory_space<hbm>>
      %dma_wait3A_179 = arith.constant 0 : i32
      %dma_wait3A_180 = arith.constant 0 : i32
      %dma_wait3A_181 = tpu.memref_slice %arg3[%arg0, %dma_wait3A_179, %dma_wait3A_180] : memref<2x8000x20xi32, #tpu.memory_space<hbm>> -> memref<1x8x20xi32, #tpu.memory_space<hbm>>
      %dma_wait3A_182 = tpu.memref_squeeze %dma_wait3A_181 : memref<1x8x20xi32, #tpu.memory_space<hbm>> -> memref<8x20xi32, #tpu.memory_space<hbm>>
      tpu.wait_dma2 semaphore(%arg10 : memref<!tpu.dma_semaphore, #tpu.memory_space<semaphore_mem>>) src(%dma_wait3A_182 : memref<8x20xi32, #tpu.memory_space<hbm>>) dst(%arg7 : memref<8x20xi32, #tpu.memory_space<vmem>>)
      %dma_start3A_183 = arith.constant 0 : i32
      %dma_start3A_184 = arith.constant 0 : i32
      %dma_start3A_185 = arith.constant 0 : i32
      %dma_start3A_186 = tpu.memref_slice %arg5[%dma_start3A_184, %dma_start3A_185] : memref<160x128xf32, #tpu.memory_space<vmem>> -> memref<20x128xf32, #tpu.memory_space<vmem>>
      %dma_start3A_187 = arith.constant 0 : i32
      %dma_start3A_188 = tpu.memref_slice %arg7[%dma_start3A_183, %dma_start3A_187] : memref<8x20xi32, #tpu.memory_space<vmem>> -> memref<1x20xi32, #tpu.memory_space<vmem>>
      %dma_start3A_189 = tpu.memref_squeeze %dma_start3A_188 : memref<1x20xi32, #tpu.memory_space<vmem>> -> memref<20xi32, #tpu.memory_space<vmem>>
      %dma_start3A_190 = arith.constant 0 : i32
      %dma_start3A_191 = arith.constant 0 : i32
      %dma_start3A_192 = tpu.memref_slice %arg9[%dma_start3A_190, %dma_start3A_191] : memref<10000x128xf32, #tpu.memory_space<vmem_shared>> -> memref<10000x128xf32, #tpu.memory_space<vmem_shared>>
      tpu.enqueue_indirect_dma source(%dma_start3A_186 : memref<20x128xf32, #tpu.memory_space<vmem>>) target(%dma_start3A_192 : memref<10000x128xf32, #tpu.memory_space<vmem_shared>>) offsets(%dma_start3A_189 : memref<20xi32, #tpu.memory_space<vmem>>) semaphore(%arg12 : memref<!tpu.dma_semaphore, #tpu.memory_space<semaphore_mem>>) {add = true}
      %dma_start3A_193 = arith.constant 1 : i32
      %dma_start3A_194 = arith.constant 20 : i32
      %dma_start3A_195 = arith.constant 0 : i32
      %dma_start3A_196 = tpu.memref_slice %arg5[%dma_start3A_194, %dma_start3A_195] : memref<160x128xf32, #tpu.memory_space<vmem>> -> memref<20x128xf32, #tpu.memory_space<vmem>>
      %dma_start3A_197 = arith.constant 0 : i32
      %dma_start3A_198 = tpu.memref_slice %arg7[%dma_start3A_193, %dma_start3A_197] : memref<8x20xi32, #tpu.memory_space<vmem>> -> memref<1x20xi32, #tpu.memory_space<vmem>>
      %dma_start3A_199 = tpu.memref_squeeze %dma_start3A_198 : memref<1x20xi32, #tpu.memory_space<vmem>> -> memref<20xi32, #tpu.memory_space<vmem>>
      %dma_start3A_200 = arith.constant 0 : i32
      %dma_start3A_201 = arith.constant 0 : i32
      %dma_start3A_202 = tpu.memref_slice %arg9[%dma_start3A_200, %dma_start3A_201] : memref<10000x128xf32, #tpu.memory_space<vmem_shared>> -> memref<10000x128xf32, #tpu.memory_space<vmem_shared>>
      tpu.enqueue_indirect_dma source(%dma_start3A_196 : memref<20x128xf32, #tpu.memory_space<vmem>>) target(%dma_start3A_202 : memref<10000x128xf32, #tpu.memory_space<vmem_shared>>) offsets(%dma_start3A_199 : memref<20xi32, #tpu.memory_space<vmem>>) semaphore(%arg12 : memref<!tpu.dma_semaphore, #tpu.memory_space<semaphore_mem>>) {add = true}
      %dma_start3A_203 = arith.constant 2 : i32
      %dma_start3A_204 = arith.constant 40 : i32
      %dma_start3A_205 = arith.constant 0 : i32
      %dma_start3A_206 = tpu.memref_slice %arg5[%dma_start3A_204, %dma_start3A_205] : memref<160x128xf32, #tpu.memory_space<vmem>> -> memref<20x128xf32, #tpu.memory_space<vmem>>
      %dma_start3A_207 = arith.constant 0 : i32
      %dma_start3A_208 = tpu.memref_slice %arg7[%dma_start3A_203, %dma_start3A_207] : memref<8x20xi32, #tpu.memory_space<vmem>> -> memref<1x20xi32, #tpu.memory_space<vmem>>
      %dma_start3A_209 = tpu.memref_squeeze %dma_start3A_208 : memref<1x20xi32, #tpu.memory_space<vmem>> -> memref<20xi32, #tpu.memory_space<vmem>>
      %dma_start3A_210 = arith.constant 0 : i32
      %dma_start3A_211 = arith.constant 0 : i32
      %dma_start3A_212 = tpu.memref_slice %arg9[%dma_start3A_210, %dma_start3A_211] : memref<10000x128xf32, #tpu.memory_space<vmem_shared>> -> memref<10000x128xf32, #tpu.memory_space<vmem_shared>>
      tpu.enqueue_indirect_dma source(%dma_start3A_206 : memref<20x128xf32, #tpu.memory_space<vmem>>) target(%dma_start3A_212 : memref<10000x128xf32, #tpu.memory_space<vmem_shared>>) offsets(%dma_start3A_209 : memref<20xi32, #tpu.memory_space<vmem>>) semaphore(%arg12 : memref<!tpu.dma_semaphore, #tpu.memory_space<semaphore_mem>>) {add = true}
      %dma_start3A_213 = arith.constant 3 : i32
      %dma_start3A_214 = arith.constant 60 : i32
      %dma_start3A_215 = arith.constant 0 : i32
      %dma_start3A_216 = tpu.memref_slice %arg5[%dma_start3A_214, %dma_start3A_215] : memref<160x128xf32, #tpu.memory_space<vmem>> -> memref<20x128xf32, #tpu.memory_space<vmem>>
      %dma_start3A_217 = arith.constant 0 : i32
      %dma_start3A_218 = tpu.memref_slice %arg7[%dma_start3A_213, %dma_start3A_217] : memref<8x20xi32, #tpu.memory_space<vmem>> -> memref<1x20xi32, #tpu.memory_space<vmem>>
      %dma_start3A_219 = tpu.memref_squeeze %dma_start3A_218 : memref<1x20xi32, #tpu.memory_space<vmem>> -> memref<20xi32, #tpu.memory_space<vmem>>
      %dma_start3A_220 = arith.constant 0 : i32
      %dma_start3A_221 = arith.constant 0 : i32
      %dma_start3A_222 = tpu.memref_slice %arg9[%dma_start3A_220, %dma_start3A_221] : memref<10000x128xf32, #tpu.memory_space<vmem_shared>> -> memref<10000x128xf32, #tpu.memory_space<vmem_shared>>
      tpu.enqueue_indirect_dma source(%dma_start3A_216 : memref<20x128xf32, #tpu.memory_space<vmem>>) target(%dma_start3A_222 : memref<10000x128xf32, #tpu.memory_space<vmem_shared>>) offsets(%dma_start3A_219 : memref<20xi32, #tpu.memory_space<vmem>>) semaphore(%arg12 : memref<!tpu.dma_semaphore, #tpu.memory_space<semaphore_mem>>) {add = true}
      %dma_start3A_223 = arith.constant 4 : i32
      %dma_start3A_224 = arith.constant 80 : i32
      %dma_start3A_225 = arith.constant 0 : i32
      %dma_start3A_226 = tpu.memref_slice %arg5[%dma_start3A_224, %dma_start3A_225] : memref<160x128xf32, #tpu.memory_space<vmem>> -> memref<20x128xf32, #tpu.memory_space<vmem>>
      %dma_start3A_227 = arith.constant 0 : i32
      %dma_start3A_228 = tpu.memref_slice %arg7[%dma_start3A_223, %dma_start3A_227] : memref<8x20xi32, #tpu.memory_space<vmem>> -> memref<1x20xi32, #tpu.memory_space<vmem>>
      %dma_start3A_229 = tpu.memref_squeeze %dma_start3A_228 : memref<1x20xi32, #tpu.memory_space<vmem>> -> memref<20xi32, #tpu.memory_space<vmem>>
      %dma_start3A_230 = arith.constant 0 : i32
      %dma_start3A_231 = arith.constant 0 : i32
      %dma_start3A_232 = tpu.memref_slice %arg9[%dma_start3A_230, %dma_start3A_231] : memref<10000x128xf32, #tpu.memory_space<vmem_shared>> -> memref<10000x128xf32, #tpu.memory_space<vmem_shared>>
      tpu.enqueue_indirect_dma source(%dma_start3A_226 : memref<20x128xf32, #tpu.memory_space<vmem>>) target(%dma_start3A_232 : memref<10000x128xf32, #tpu.memory_space<vmem_shared>>) offsets(%dma_start3A_229 : memref<20xi32, #tpu.memory_space<vmem>>) semaphore(%arg12 : memref<!tpu.dma_semaphore, #tpu.memory_space<semaphore_mem>>) {add = true}
      %dma_start3A_233 = arith.constant 5 : i32
      %dma_start3A_234 = arith.constant 100 : i32
      %dma_start3A_235 = arith.constant 0 : i32
      %dma_start3A_236 = tpu.memref_slice %arg5[%dma_start3A_234, %dma_start3A_235] : memref<160x128xf32, #tpu.memory_space<vmem>> -> memref<20x128xf32, #tpu.memory_space<vmem>>
      %dma_start3A_237 = arith.constant 0 : i32
      %dma_start3A_238 = tpu.memref_slice %arg7[%dma_start3A_233, %dma_start3A_237] : memref<8x20xi32, #tpu.memory_space<vmem>> -> memref<1x20xi32, #tpu.memory_space<vmem>>
      %dma_start3A_239 = tpu.memref_squeeze %dma_start3A_238 : memref<1x20xi32, #tpu.memory_space<vmem>> -> memref<20xi32, #tpu.memory_space<vmem>>
      %dma_start3A_240 = arith.constant 0 : i32
      %dma_start3A_241 = arith.constant 0 : i32
      %dma_start3A_242 = tpu.memref_slice %arg9[%dma_start3A_240, %dma_start3A_241] : memref<10000x128xf32, #tpu.memory_space<vmem_shared>> -> memref<10000x128xf32, #tpu.memory_space<vmem_shared>>
      tpu.enqueue_indirect_dma source(%dma_start3A_236 : memref<20x128xf32, #tpu.memory_space<vmem>>) target(%dma_start3A_242 : memref<10000x128xf32, #tpu.memory_space<vmem_shared>>) offsets(%dma_start3A_239 : memref<20xi32, #tpu.memory_space<vmem>>) semaphore(%arg12 : memref<!tpu.dma_semaphore, #tpu.memory_space<semaphore_mem>>) {add = true}
      %dma_start3A_243 = arith.constant 6 : i32
      %dma_start3A_244 = arith.constant 120 : i32
      %dma_start3A_245 = arith.constant 0 : i32
      %dma_start3A_246 = tpu.memref_slice %arg5[%dma_start3A_244, %dma_start3A_245] : memref<160x128xf32, #tpu.memory_space<vmem>> -> memref<20x128xf32, #tpu.memory_space<vmem>>
      %dma_start3A_247 = arith.constant 0 : i32
      %dma_start3A_248 = tpu.memref_slice %arg7[%dma_start3A_243, %dma_start3A_247] : memref<8x20xi32, #tpu.memory_space<vmem>> -> memref<1x20xi32, #tpu.memory_space<vmem>>
      %dma_start3A_249 = tpu.memref_squeeze %dma_start3A_248 : memref<1x20xi32, #tpu.memory_space<vmem>> -> memref<20xi32, #tpu.memory_space<vmem>>
      %dma_start3A_250 = arith.constant 0 : i32
      %dma_start3A_251 = arith.constant 0 : i32
      %dma_start3A_252 = tpu.memref_slice %arg9[%dma_start3A_250, %dma_start3A_251] : memref<10000x128xf32, #tpu.memory_space<vmem_shared>> -> memref<10000x128xf32, #tpu.memory_space<vmem_shared>>
      tpu.enqueue_indirect_dma source(%dma_start3A_246 : memref<20x128xf32, #tpu.memory_space<vmem>>) target(%dma_start3A_252 : memref<10000x128xf32, #tpu.memory_space<vmem_shared>>) offsets(%dma_start3A_249 : memref<20xi32, #tpu.memory_space<vmem>>) semaphore(%arg12 : memref<!tpu.dma_semaphore, #tpu.memory_space<semaphore_mem>>) {add = true}
      %dma_start3A_253 = arith.constant 7 : i32
      %dma_start3A_254 = arith.constant 140 : i32
      %dma_start3A_255 = arith.constant 0 : i32
      %dma_start3A_256 = tpu.memref_slice %arg5[%dma_start3A_254, %dma_start3A_255] : memref<160x128xf32, #tpu.memory_space<vmem>> -> memref<20x128xf32, #tpu.memory_space<vmem>>
      %dma_start3A_257 = arith.constant 0 : i32
      %dma_start3A_258 = tpu.memref_slice %arg7[%dma_start3A_253, %dma_start3A_257] : memref<8x20xi32, #tpu.memory_space<vmem>> -> memref<1x20xi32, #tpu.memory_space<vmem>>
      %dma_start3A_259 = tpu.memref_squeeze %dma_start3A_258 : memref<1x20xi32, #tpu.memory_space<vmem>> -> memref<20xi32, #tpu.memory_space<vmem>>
      %dma_start3A_260 = arith.constant 0 : i32
      %dma_start3A_261 = arith.constant 0 : i32
      %dma_start3A_262 = tpu.memref_slice %arg9[%dma_start3A_260, %dma_start3A_261] : memref<10000x128xf32, #tpu.memory_space<vmem_shared>> -> memref<10000x128xf32, #tpu.memory_space<vmem_shared>>
      tpu.enqueue_indirect_dma source(%dma_start3A_256 : memref<20x128xf32, #tpu.memory_space<vmem>>) target(%dma_start3A_262 : memref<10000x128xf32, #tpu.memory_space<vmem_shared>>) offsets(%dma_start3A_259 : memref<20xi32, #tpu.memory_space<vmem>>) semaphore(%arg12 : memref<!tpu.dma_semaphore, #tpu.memory_space<semaphore_mem>>) {add = true}
      %dma_wait3A_263 = arith.constant 0 : i32
      %dma_wait3A_264 = arith.constant 0 : i32
      %dma_wait3A_265 = arith.constant 0 : i32
      %dma_wait3A_266 = tpu.memref_slice %arg5[%dma_wait3A_264, %dma_wait3A_265] : memref<160x128xf32, #tpu.memory_space<vmem>> -> memref<20x128xf32, #tpu.memory_space<vmem>>
      %dma_wait3A_267 = arith.constant 0 : i32
      %dma_wait3A_268 = tpu.memref_slice %arg7[%dma_wait3A_263, %dma_wait3A_267] : memref<8x20xi32, #tpu.memory_space<vmem>> -> memref<1x20xi32, #tpu.memory_space<vmem>>
      %dma_wait3A_269 = tpu.memref_squeeze %dma_wait3A_268 : memref<1x20xi32, #tpu.memory_space<vmem>> -> memref<20xi32, #tpu.memory_space<vmem>>
      %dma_wait3A_270 = arith.constant 0 : i32
      %dma_wait3A_271 = arith.constant 0 : i32
      %dma_wait3A_272 = tpu.memref_slice %arg9[%dma_wait3A_270, %dma_wait3A_271] : memref<10000x128xf32, #tpu.memory_space<vmem_shared>> -> memref<10000x128xf32, #tpu.memory_space<vmem_shared>>
      tpu.wait_indirect_dma semaphore(%arg12 : memref<!tpu.dma_semaphore, #tpu.memory_space<semaphore_mem>>) src(%dma_wait3A_266 : memref<20x128xf32, #tpu.memory_space<vmem>>) dst(%dma_wait3A_272 : memref<10000x128xf32, #tpu.memory_space<vmem_shared>>)
      %dma_wait3A_273 = arith.constant 1 : i32
      %dma_wait3A_274 = arith.constant 20 : i32
      %dma_wait3A_275 = arith.constant 0 : i32
      %dma_wait3A_276 = tpu.memref_slice %arg5[%dma_wait3A_274, %dma_wait3A_275] : memref<160x128xf32, #tpu.memory_space<vmem>> -> memref<20x128xf32, #tpu.memory_space<vmem>>
      %dma_wait3A_277 = arith.constant 0 : i32
      %dma_wait3A_278 = tpu.memref_slice %arg7[%dma_wait3A_273, %dma_wait3A_277] : memref<8x20xi32, #tpu.memory_space<vmem>> -> memref<1x20xi32, #tpu.memory_space<vmem>>
      %dma_wait3A_279 = tpu.memref_squeeze %dma_wait3A_278 : memref<1x20xi32, #tpu.memory_space<vmem>> -> memref<20xi32, #tpu.memory_space<vmem>>
      %dma_wait3A_280 = arith.constant 0 : i32
      %dma_wait3A_281 = arith.constant 0 : i32
      %dma_wait3A_282 = tpu.memref_slice %arg9[%dma_wait3A_280, %dma_wait3A_281] : memref<10000x128xf32, #tpu.memory_space<vmem_shared>> -> memref<10000x128xf32, #tpu.memory_space<vmem_shared>>
      tpu.wait_indirect_dma semaphore(%arg12 : memref<!tpu.dma_semaphore, #tpu.memory_space<semaphore_mem>>) src(%dma_wait3A_276 : memref<20x128xf32, #tpu.memory_space<vmem>>) dst(%dma_wait3A_282 : memref<10000x128xf32, #tpu.memory_space<vmem_shared>>)
      %dma_wait3A_283 = arith.constant 2 : i32
      %dma_wait3A_284 = arith.constant 40 : i32
      %dma_wait3A_285 = arith.constant 0 : i32
      %dma_wait3A_286 = tpu.memref_slice %arg5[%dma_wait3A_284, %dma_wait3A_285] : memref<160x128xf32, #tpu.memory_space<vmem>> -> memref<20x128xf32, #tpu.memory_space<vmem>>
      %dma_wait3A_287 = arith.constant 0 : i32
      %dma_wait3A_288 = tpu.memref_slice %arg7[%dma_wait3A_283, %dma_wait3A_287] : memref<8x20xi32, #tpu.memory_space<vmem>> -> memref<1x20xi32, #tpu.memory_space<vmem>>
      %dma_wait3A_289 = tpu.memref_squeeze %dma_wait3A_288 : memref<1x20xi32, #tpu.memory_space<vmem>> -> memref<20xi32, #tpu.memory_space<vmem>>
      %dma_wait3A_290 = arith.constant 0 : i32
      %dma_wait3A_291 = arith.constant 0 : i32
      %dma_wait3A_292 = tpu.memref_slice %arg9[%dma_wait3A_290, %dma_wait3A_291] : memref<10000x128xf32, #tpu.memory_space<vmem_shared>> -> memref<10000x128xf32, #tpu.memory_space<vmem_shared>>
      tpu.wait_indirect_dma semaphore(%arg12 : memref<!tpu.dma_semaphore, #tpu.memory_space<semaphore_mem>>) src(%dma_wait3A_286 : memref<20x128xf32, #tpu.memory_space<vmem>>) dst(%dma_wait3A_292 : memref<10000x128xf32, #tpu.memory_space<vmem_shared>>)
      %dma_wait3A_293 = arith.constant 3 : i32
      %dma_wait3A_294 = arith.constant 60 : i32
      %dma_wait3A_295 = arith.constant 0 : i32
      %dma_wait3A_296 = tpu.memref_slice %arg5[%dma_wait3A_294, %dma_wait3A_295] : memref<160x128xf32, #tpu.memory_space<vmem>> -> memref<20x128xf32, #tpu.memory_space<vmem>>
      %dma_wait3A_297 = arith.constant 0 : i32
      %dma_wait3A_298 = tpu.memref_slice %arg7[%dma_wait3A_293, %dma_wait3A_297] : memref<8x20xi32, #tpu.memory_space<vmem>> -> memref<1x20xi32, #tpu.memory_space<vmem>>
      %dma_wait3A_299 = tpu.memref_squeeze %dma_wait3A_298 : memref<1x20xi32, #tpu.memory_space<vmem>> -> memref<20xi32, #tpu.memory_space<vmem>>
      %dma_wait3A_300 = arith.constant 0 : i32
      %dma_wait3A_301 = arith.constant 0 : i32
      %dma_wait3A_302 = tpu.memref_slice %arg9[%dma_wait3A_300, %dma_wait3A_301] : memref<10000x128xf32, #tpu.memory_space<vmem_shared>> -> memref<10000x128xf32, #tpu.memory_space<vmem_shared>>
      tpu.wait_indirect_dma semaphore(%arg12 : memref<!tpu.dma_semaphore, #tpu.memory_space<semaphore_mem>>) src(%dma_wait3A_296 : memref<20x128xf32, #tpu.memory_space<vmem>>) dst(%dma_wait3A_302 : memref<10000x128xf32, #tpu.memory_space<vmem_shared>>)
      %dma_wait3A_303 = arith.constant 4 : i32
      %dma_wait3A_304 = arith.constant 80 : i32
      %dma_wait3A_305 = arith.constant 0 : i32
      %dma_wait3A_306 = tpu.memref_slice %arg5[%dma_wait3A_304, %dma_wait3A_305] : memref<160x128xf32, #tpu.memory_space<vmem>> -> memref<20x128xf32, #tpu.memory_space<vmem>>
      %dma_wait3A_307 = arith.constant 0 : i32
      %dma_wait3A_308 = tpu.memref_slice %arg7[%dma_wait3A_303, %dma_wait3A_307] : memref<8x20xi32, #tpu.memory_space<vmem>> -> memref<1x20xi32, #tpu.memory_space<vmem>>
      %dma_wait3A_309 = tpu.memref_squeeze %dma_wait3A_308 : memref<1x20xi32, #tpu.memory_space<vmem>> -> memref<20xi32, #tpu.memory_space<vmem>>
      %dma_wait3A_310 = arith.constant 0 : i32
      %dma_wait3A_311 = arith.constant 0 : i32
      %dma_wait3A_312 = tpu.memref_slice %arg9[%dma_wait3A_310, %dma_wait3A_311] : memref<10000x128xf32, #tpu.memory_space<vmem_shared>> -> memref<10000x128xf32, #tpu.memory_space<vmem_shared>>
      tpu.wait_indirect_dma semaphore(%arg12 : memref<!tpu.dma_semaphore, #tpu.memory_space<semaphore_mem>>) src(%dma_wait3A_306 : memref<20x128xf32, #tpu.memory_space<vmem>>) dst(%dma_wait3A_312 : memref<10000x128xf32, #tpu.memory_space<vmem_shared>>)
      %dma_wait3A_313 = arith.constant 5 : i32
      %dma_wait3A_314 = arith.constant 100 : i32
      %dma_wait3A_315 = arith.constant 0 : i32
      %dma_wait3A_316 = tpu.memref_slice %arg5[%dma_wait3A_314, %dma_wait3A_315] : memref<160x128xf32, #tpu.memory_space<vmem>> -> memref<20x128xf32, #tpu.memory_space<vmem>>
      %dma_wait3A_317 = arith.constant 0 : i32
      %dma_wait3A_318 = tpu.memref_slice %arg7[%dma_wait3A_313, %dma_wait3A_317] : memref<8x20xi32, #tpu.memory_space<vmem>> -> memref<1x20xi32, #tpu.memory_space<vmem>>
      %dma_wait3A_319 = tpu.memref_squeeze %dma_wait3A_318 : memref<1x20xi32, #tpu.memory_space<vmem>> -> memref<20xi32, #tpu.memory_space<vmem>>
      %dma_wait3A_320 = arith.constant 0 : i32
      %dma_wait3A_321 = arith.constant 0 : i32
      %dma_wait3A_322 = tpu.memref_slice %arg9[%dma_wait3A_320, %dma_wait3A_321] : memref<10000x128xf32, #tpu.memory_space<vmem_shared>> -> memref<10000x128xf32, #tpu.memory_space<vmem_shared>>
      tpu.wait_indirect_dma semaphore(%arg12 : memref<!tpu.dma_semaphore, #tpu.memory_space<semaphore_mem>>) src(%dma_wait3A_316 : memref<20x128xf32, #tpu.memory_space<vmem>>) dst(%dma_wait3A_322 : memref<10000x128xf32, #tpu.memory_space<vmem_shared>>)
      %dma_wait3A_323 = arith.constant 6 : i32
      %dma_wait3A_324 = arith.constant 120 : i32
      %dma_wait3A_325 = arith.constant 0 : i32
      %dma_wait3A_326 = tpu.memref_slice %arg5[%dma_wait3A_324, %dma_wait3A_325] : memref<160x128xf32, #tpu.memory_space<vmem>> -> memref<20x128xf32, #tpu.memory_space<vmem>>
      %dma_wait3A_327 = arith.constant 0 : i32
      %dma_wait3A_328 = tpu.memref_slice %arg7[%dma_wait3A_323, %dma_wait3A_327] : memref<8x20xi32, #tpu.memory_space<vmem>> -> memref<1x20xi32, #tpu.memory_space<vmem>>
      %dma_wait3A_329 = tpu.memref_squeeze %dma_wait3A_328 : memref<1x20xi32, #tpu.memory_space<vmem>> -> memref<20xi32, #tpu.memory_space<vmem>>
      %dma_wait3A_330 = arith.constant 0 : i32
      %dma_wait3A_331 = arith.constant 0 : i32
      %dma_wait3A_332 = tpu.memref_slice %arg9[%dma_wait3A_330, %dma_wait3A_331] : memref<10000x128xf32, #tpu.memory_space<vmem_shared>> -> memref<10000x128xf32, #tpu.memory_space<vmem_shared>>
      tpu.wait_indirect_dma semaphore(%arg12 : memref<!tpu.dma_semaphore, #tpu.memory_space<semaphore_mem>>) src(%dma_wait3A_326 : memref<20x128xf32, #tpu.memory_space<vmem>>) dst(%dma_wait3A_332 : memref<10000x128xf32, #tpu.memory_space<vmem_shared>>)
      %dma_wait3A_333 = arith.constant 7 : i32
      %dma_wait3A_334 = arith.constant 140 : i32
      %dma_wait3A_335 = arith.constant 0 : i32
      %dma_wait3A_336 = tpu.memref_slice %arg5[%dma_wait3A_334, %dma_wait3A_335] : memref<160x128xf32, #tpu.memory_space<vmem>> -> memref<20x128xf32, #tpu.memory_space<vmem>>
      %dma_wait3A_337 = arith.constant 0 : i32
      %dma_wait3A_338 = tpu.memref_slice %arg7[%dma_wait3A_333, %dma_wait3A_337] : memref<8x20xi32, #tpu.memory_space<vmem>> -> memref<1x20xi32, #tpu.memory_space<vmem>>
      %dma_wait3A_339 = tpu.memref_squeeze %dma_wait3A_338 : memref<1x20xi32, #tpu.memory_space<vmem>> -> memref<20xi32, #tpu.memory_space<vmem>>
      %dma_wait3A_340 = arith.constant 0 : i32
      %dma_wait3A_341 = arith.constant 0 : i32
      %dma_wait3A_342 = tpu.memref_slice %arg9[%dma_wait3A_340, %dma_wait3A_341] : memref<10000x128xf32, #tpu.memory_space<vmem_shared>> -> memref<10000x128xf32, #tpu.memory_space<vmem_shared>>
      tpu.wait_indirect_dma semaphore(%arg12 : memref<!tpu.dma_semaphore, #tpu.memory_space<semaphore_mem>>) src(%dma_wait3A_336 : memref<20x128xf32, #tpu.memory_space<vmem>>) dst(%dma_wait3A_342 : memref<10000x128xf32, #tpu.memory_space<vmem_shared>>)
      %convert_element_type3A_343 = arith.extui %or3A : i1 to i32
      %cond3A_344 = arith.constant 0 : i32
      %cond3A_345 = arith.cmpi ne, %convert_element_type3A_343, %cond3A_344 : i32
      scf.if %cond3A_345 {
        %mul3A_529 = arith.constant 16 : i32
        %mul3A_530 = arith.muli %add3A_160, %mul3A_529 : i32
        %add3A_531 = arith.addi %mul3A_530, %arg1 : i32
        %mul3A_532 = arith.constant 160 : i32
        %mul3A_533 = arith.muli %add3A_531, %mul3A_532 : i32
        %multiple_of3A_534 = tpu.assume_multiple %mul3A_533, 8 : i32
        %dma_start3A_535 = arith.constant 0 : i32
        %dma_start3A_536 = tpu.memref_slice %arg2[%arg0, %multiple_of3A_534, %dma_start3A_535] : memref<2x160000x128xf32, #tpu.memory_space<hbm>> -> memref<1x160x128xf32, #tpu.memory_space<hbm>>
        %dma_start3A_537 = tpu.memref_squeeze %dma_start3A_536 : memref<1x160x128xf32, #tpu.memory_space<hbm>> -> memref<160x128xf32, #tpu.memory_space<hbm>>
        %dma_start3A_538 = arith.constant 0 : i32
        %dma_start3A_539 = tpu.memref_slice %arg2[%arg0, %multiple_of3A_534, %dma_start3A_538] : memref<2x160000x128xf32, #tpu.memory_space<hbm>> -> memref<1x160x128xf32, #tpu.memory_space<hbm>>
        %dma_start3A_540 = tpu.memref_squeeze %dma_start3A_539 : memref<1x160x128xf32, #tpu.memory_space<hbm>> -> memref<160x128xf32, #tpu.memory_space<hbm>>
        tpu.enqueue_dma source(%dma_start3A_540 : memref<160x128xf32, #tpu.memory_space<hbm>>) target(%arg5 : memref<160x128xf32, #tpu.memory_space<vmem>>) target_semaphore(%arg10 : memref<!tpu.dma_semaphore, #tpu.memory_space<semaphore_mem>>)
        %mul3A_541 = arith.constant 8 : i32
        %mul3A_542 = arith.muli %add3A_531, %mul3A_541 : i32
        %multiple_of3A_543 = tpu.assume_multiple %mul3A_542, 8 : i32
        %dma_start3A_544 = arith.constant 0 : i32
        %dma_start3A_545 = tpu.memref_slice %arg3[%arg0, %multiple_of3A_543, %dma_start3A_544] : memref<2x8000x20xi32, #tpu.memory_space<hbm>> -> memref<1x8x20xi32, #tpu.memory_space<hbm>>
        %dma_start3A_546 = tpu.memref_squeeze %dma_start3A_545 : memref<1x8x20xi32, #tpu.memory_space<hbm>> -> memref<8x20xi32, #tpu.memory_space<hbm>>
        %dma_start3A_547 = arith.constant 0 : i32
        %dma_start3A_548 = tpu.memref_slice %arg3[%arg0, %multiple_of3A_543, %dma_start3A_547] : memref<2x8000x20xi32, #tpu.memory_space<hbm>> -> memref<1x8x20xi32, #tpu.memory_space<hbm>>
        %dma_start3A_549 = tpu.memref_squeeze %dma_start3A_548 : memref<1x8x20xi32, #tpu.memory_space<hbm>> -> memref<8x20xi32, #tpu.memory_space<hbm>>
        tpu.enqueue_dma source(%dma_start3A_549 : memref<8x20xi32, #tpu.memory_space<hbm>>) target(%arg7 : memref<8x20xi32, #tpu.memory_space<vmem>>) target_semaphore(%arg10 : memref<!tpu.dma_semaphore, #tpu.memory_space<semaphore_mem>>)
      } else {
      }
      %add3A_346 = arith.constant 2 : i32
      %add3A_347 = arith.addi %add3A_158, %add3A_346 : i32
      %lt3A_348 = arith.constant 62 : i32
      %lt3A_349 = arith.cmpi slt, %add3A_347, %lt3A_348 : i32
      %dma_wait3A_350 = arith.constant 0 : i32
      %dma_wait3A_351 = arith.constant 0 : i32
      %dma_wait3A_352 = tpu.memref_slice %arg2[%arg0, %dma_wait3A_350, %dma_wait3A_351] : memref<2x160000x128xf32, #tpu.memory_space<hbm>> -> memref<1x160x128xf32, #tpu.memory_space<hbm>>
      %dma_wait3A_353 = tpu.memref_squeeze %dma_wait3A_352 : memref<1x160x128xf32, #tpu.memory_space<hbm>> -> memref<160x128xf32, #tpu.memory_space<hbm>>
      %dma_wait3A_354 = arith.constant 0 : i32
      %dma_wait3A_355 = arith.constant 0 : i32
      %dma_wait3A_356 = tpu.memref_slice %arg2[%arg0, %dma_wait3A_354, %dma_wait3A_355] : memref<2x160000x128xf32, #tpu.memory_space<hbm>> -> memref<1x160x128xf32, #tpu.memory_space<hbm>>
      %dma_wait3A_357 = tpu.memref_squeeze %dma_wait3A_356 : memref<1x160x128xf32, #tpu.memory_space<hbm>> -> memref<160x128xf32, #tpu.memory_space<hbm>>
      tpu.wait_dma2 semaphore(%arg11 : memref<!tpu.dma_semaphore, #tpu.memory_space<semaphore_mem>>) src(%dma_wait3A_357 : memref<160x128xf32, #tpu.memory_space<hbm>>) dst(%arg6 : memref<160x128xf32, #tpu.memory_space<vmem>>)
      %dma_wait3A_358 = arith.constant 0 : i32
      %dma_wait3A_359 = arith.constant 0 : i32
      %dma_wait3A_360 = tpu.memref_slice %arg3[%arg0, %dma_wait3A_358, %dma_wait3A_359] : memref<2x8000x20xi32, #tpu.memory_space<hbm>> -> memref<1x8x20xi32, #tpu.memory_space<hbm>>
      %dma_wait3A_361 = tpu.memref_squeeze %dma_wait3A_360 : memref<1x8x20xi32, #tpu.memory_space<hbm>> -> memref<8x20xi32, #tpu.memory_space<hbm>>
      %dma_wait3A_362 = arith.constant 0 : i32
      %dma_wait3A_363 = arith.constant 0 : i32
      %dma_wait3A_364 = tpu.memref_slice %arg3[%arg0, %dma_wait3A_362, %dma_wait3A_363] : memref<2x8000x20xi32, #tpu.memory_space<hbm>> -> memref<1x8x20xi32, #tpu.memory_space<hbm>>
      %dma_wait3A_365 = tpu.memref_squeeze %dma_wait3A_364 : memref<1x8x20xi32, #tpu.memory_space<hbm>> -> memref<8x20xi32, #tpu.memory_space<hbm>>
      tpu.wait_dma2 semaphore(%arg11 : memref<!tpu.dma_semaphore, #tpu.memory_space<semaphore_mem>>) src(%dma_wait3A_365 : memref<8x20xi32, #tpu.memory_space<hbm>>) dst(%arg8 : memref<8x20xi32, #tpu.memory_space<vmem>>)
      %dma_start3A_366 = arith.constant 0 : i32
      %dma_start3A_367 = arith.constant 0 : i32
      %dma_start3A_368 = arith.constant 0 : i32
      %dma_start3A_369 = tpu.memref_slice %arg6[%dma_start3A_367, %dma_start3A_368] : memref<160x128xf32, #tpu.memory_space<vmem>> -> memref<20x128xf32, #tpu.memory_space<vmem>>
      %dma_start3A_370 = arith.constant 0 : i32
      %dma_start3A_371 = tpu.memref_slice %arg8[%dma_start3A_366, %dma_start3A_370] : memref<8x20xi32, #tpu.memory_space<vmem>> -> memref<1x20xi32, #tpu.memory_space<vmem>>
      %dma_start3A_372 = tpu.memref_squeeze %dma_start3A_371 : memref<1x20xi32, #tpu.memory_space<vmem>> -> memref<20xi32, #tpu.memory_space<vmem>>
      %dma_start3A_373 = arith.constant 0 : i32
      %dma_start3A_374 = arith.constant 0 : i32
      %dma_start3A_375 = tpu.memref_slice %arg9[%dma_start3A_373, %dma_start3A_374] : memref<10000x128xf32, #tpu.memory_space<vmem_shared>> -> memref<10000x128xf32, #tpu.memory_space<vmem_shared>>
      tpu.enqueue_indirect_dma source(%dma_start3A_369 : memref<20x128xf32, #tpu.memory_space<vmem>>) target(%dma_start3A_375 : memref<10000x128xf32, #tpu.memory_space<vmem_shared>>) offsets(%dma_start3A_372 : memref<20xi32, #tpu.memory_space<vmem>>) semaphore(%arg12 : memref<!tpu.dma_semaphore, #tpu.memory_space<semaphore_mem>>) {add = true}
      %dma_start3A_376 = arith.constant 1 : i32
      %dma_start3A_377 = arith.constant 20 : i32
      %dma_start3A_378 = arith.constant 0 : i32
      %dma_start3A_379 = tpu.memref_slice %arg6[%dma_start3A_377, %dma_start3A_378] : memref<160x128xf32, #tpu.memory_space<vmem>> -> memref<20x128xf32, #tpu.memory_space<vmem>>
      %dma_start3A_380 = arith.constant 0 : i32
      %dma_start3A_381 = tpu.memref_slice %arg8[%dma_start3A_376, %dma_start3A_380] : memref<8x20xi32, #tpu.memory_space<vmem>> -> memref<1x20xi32, #tpu.memory_space<vmem>>
      %dma_start3A_382 = tpu.memref_squeeze %dma_start3A_381 : memref<1x20xi32, #tpu.memory_space<vmem>> -> memref<20xi32, #tpu.memory_space<vmem>>
      %dma_start3A_383 = arith.constant 0 : i32
      %dma_start3A_384 = arith.constant 0 : i32
      %dma_start3A_385 = tpu.memref_slice %arg9[%dma_start3A_383, %dma_start3A_384] : memref<10000x128xf32, #tpu.memory_space<vmem_shared>> -> memref<10000x128xf32, #tpu.memory_space<vmem_shared>>
      tpu.enqueue_indirect_dma source(%dma_start3A_379 : memref<20x128xf32, #tpu.memory_space<vmem>>) target(%dma_start3A_385 : memref<10000x128xf32, #tpu.memory_space<vmem_shared>>) offsets(%dma_start3A_382 : memref<20xi32, #tpu.memory_space<vmem>>) semaphore(%arg12 : memref<!tpu.dma_semaphore, #tpu.memory_space<semaphore_mem>>) {add = true}
      %dma_start3A_386 = arith.constant 2 : i32
      %dma_start3A_387 = arith.constant 40 : i32
      %dma_start3A_388 = arith.constant 0 : i32
      %dma_start3A_389 = tpu.memref_slice %arg6[%dma_start3A_387, %dma_start3A_388] : memref<160x128xf32, #tpu.memory_space<vmem>> -> memref<20x128xf32, #tpu.memory_space<vmem>>
      %dma_start3A_390 = arith.constant 0 : i32
      %dma_start3A_391 = tpu.memref_slice %arg8[%dma_start3A_386, %dma_start3A_390] : memref<8x20xi32, #tpu.memory_space<vmem>> -> memref<1x20xi32, #tpu.memory_space<vmem>>
      %dma_start3A_392 = tpu.memref_squeeze %dma_start3A_391 : memref<1x20xi32, #tpu.memory_space<vmem>> -> memref<20xi32, #tpu.memory_space<vmem>>
      %dma_start3A_393 = arith.constant 0 : i32
      %dma_start3A_394 = arith.constant 0 : i32
      %dma_start3A_395 = tpu.memref_slice %arg9[%dma_start3A_393, %dma_start3A_394] : memref<10000x128xf32, #tpu.memory_space<vmem_shared>> -> memref<10000x128xf32, #tpu.memory_space<vmem_shared>>
      tpu.enqueue_indirect_dma source(%dma_start3A_389 : memref<20x128xf32, #tpu.memory_space<vmem>>) target(%dma_start3A_395 : memref<10000x128xf32, #tpu.memory_space<vmem_shared>>) offsets(%dma_start3A_392 : memref<20xi32, #tpu.memory_space<vmem>>) semaphore(%arg12 : memref<!tpu.dma_semaphore, #tpu.memory_space<semaphore_mem>>) {add = true}
      %dma_start3A_396 = arith.constant 3 : i32
      %dma_start3A_397 = arith.constant 60 : i32
      %dma_start3A_398 = arith.constant 0 : i32
      %dma_start3A_399 = tpu.memref_slice %arg6[%dma_start3A_397, %dma_start3A_398] : memref<160x128xf32, #tpu.memory_space<vmem>> -> memref<20x128xf32, #tpu.memory_space<vmem>>
      %dma_start3A_400 = arith.constant 0 : i32
      %dma_start3A_401 = tpu.memref_slice %arg8[%dma_start3A_396, %dma_start3A_400] : memref<8x20xi32, #tpu.memory_space<vmem>> -> memref<1x20xi32, #tpu.memory_space<vmem>>
      %dma_start3A_402 = tpu.memref_squeeze %dma_start3A_401 : memref<1x20xi32, #tpu.memory_space<vmem>> -> memref<20xi32, #tpu.memory_space<vmem>>
      %dma_start3A_403 = arith.constant 0 : i32
      %dma_start3A_404 = arith.constant 0 : i32
      %dma_start3A_405 = tpu.memref_slice %arg9[%dma_start3A_403, %dma_start3A_404] : memref<10000x128xf32, #tpu.memory_space<vmem_shared>> -> memref<10000x128xf32, #tpu.memory_space<vmem_shared>>
      tpu.enqueue_indirect_dma source(%dma_start3A_399 : memref<20x128xf32, #tpu.memory_space<vmem>>) target(%dma_start3A_405 : memref<10000x128xf32, #tpu.memory_space<vmem_shared>>) offsets(%dma_start3A_402 : memref<20xi32, #tpu.memory_space<vmem>>) semaphore(%arg12 : memref<!tpu.dma_semaphore, #tpu.memory_space<semaphore_mem>>) {add = true}
      %dma_start3A_406 = arith.constant 4 : i32
      %dma_start3A_407 = arith.constant 80 : i32
      %dma_start3A_408 = arith.constant 0 : i32
      %dma_start3A_409 = tpu.memref_slice %arg6[%dma_start3A_407, %dma_start3A_408] : memref<160x128xf32, #tpu.memory_space<vmem>> -> memref<20x128xf32, #tpu.memory_space<vmem>>
      %dma_start3A_410 = arith.constant 0 : i32
      %dma_start3A_411 = tpu.memref_slice %arg8[%dma_start3A_406, %dma_start3A_410] : memref<8x20xi32, #tpu.memory_space<vmem>> -> memref<1x20xi32, #tpu.memory_space<vmem>>
      %dma_start3A_412 = tpu.memref_squeeze %dma_start3A_411 : memref<1x20xi32, #tpu.memory_space<vmem>> -> memref<20xi32, #tpu.memory_space<vmem>>
      %dma_start3A_413 = arith.constant 0 : i32
      %dma_start3A_414 = arith.constant 0 : i32
      %dma_start3A_415 = tpu.memref_slice %arg9[%dma_start3A_413, %dma_start3A_414] : memref<10000x128xf32, #tpu.memory_space<vmem_shared>> -> memref<10000x128xf32, #tpu.memory_space<vmem_shared>>
      tpu.enqueue_indirect_dma source(%dma_start3A_409 : memref<20x128xf32, #tpu.memory_space<vmem>>) target(%dma_start3A_415 : memref<10000x128xf32, #tpu.memory_space<vmem_shared>>) offsets(%dma_start3A_412 : memref<20xi32, #tpu.memory_space<vmem>>) semaphore(%arg12 : memref<!tpu.dma_semaphore, #tpu.memory_space<semaphore_mem>>) {add = true}
      %dma_start3A_416 = arith.constant 5 : i32
      %dma_start3A_417 = arith.constant 100 : i32
      %dma_start3A_418 = arith.constant 0 : i32
      %dma_start3A_419 = tpu.memref_slice %arg6[%dma_start3A_417, %dma_start3A_418] : memref<160x128xf32, #tpu.memory_space<vmem>> -> memref<20x128xf32, #tpu.memory_space<vmem>>
      %dma_start3A_420 = arith.constant 0 : i32
      %dma_start3A_421 = tpu.memref_slice %arg8[%dma_start3A_416, %dma_start3A_420] : memref<8x20xi32, #tpu.memory_space<vmem>> -> memref<1x20xi32, #tpu.memory_space<vmem>>
      %dma_start3A_422 = tpu.memref_squeeze %dma_start3A_421 : memref<1x20xi32, #tpu.memory_space<vmem>> -> memref<20xi32, #tpu.memory_space<vmem>>
      %dma_start3A_423 = arith.constant 0 : i32
      %dma_start3A_424 = arith.constant 0 : i32
      %dma_start3A_425 = tpu.memref_slice %arg9[%dma_start3A_423, %dma_start3A_424] : memref<10000x128xf32, #tpu.memory_space<vmem_shared>> -> memref<10000x128xf32, #tpu.memory_space<vmem_shared>>
      tpu.enqueue_indirect_dma source(%dma_start3A_419 : memref<20x128xf32, #tpu.memory_space<vmem>>) target(%dma_start3A_425 : memref<10000x128xf32, #tpu.memory_space<vmem_shared>>) offsets(%dma_start3A_422 : memref<20xi32, #tpu.memory_space<vmem>>) semaphore(%arg12 : memref<!tpu.dma_semaphore, #tpu.memory_space<semaphore_mem>>) {add = true}
      %dma_start3A_426 = arith.constant 6 : i32
      %dma_start3A_427 = arith.constant 120 : i32
      %dma_start3A_428 = arith.constant 0 : i32
      %dma_start3A_429 = tpu.memref_slice %arg6[%dma_start3A_427, %dma_start3A_428] : memref<160x128xf32, #tpu.memory_space<vmem>> -> memref<20x128xf32, #tpu.memory_space<vmem>>
      %dma_start3A_430 = arith.constant 0 : i32
      %dma_start3A_431 = tpu.memref_slice %arg8[%dma_start3A_426, %dma_start3A_430] : memref<8x20xi32, #tpu.memory_space<vmem>> -> memref<1x20xi32, #tpu.memory_space<vmem>>
      %dma_start3A_432 = tpu.memref_squeeze %dma_start3A_431 : memref<1x20xi32, #tpu.memory_space<vmem>> -> memref<20xi32, #tpu.memory_space<vmem>>
      %dma_start3A_433 = arith.constant 0 : i32
      %dma_start3A_434 = arith.constant 0 : i32
      %dma_start3A_435 = tpu.memref_slice %arg9[%dma_start3A_433, %dma_start3A_434] : memref<10000x128xf32, #tpu.memory_space<vmem_shared>> -> memref<10000x128xf32, #tpu.memory_space<vmem_shared>>
      tpu.enqueue_indirect_dma source(%dma_start3A_429 : memref<20x128xf32, #tpu.memory_space<vmem>>) target(%dma_start3A_435 : memref<10000x128xf32, #tpu.memory_space<vmem_shared>>) offsets(%dma_start3A_432 : memref<20xi32, #tpu.memory_space<vmem>>) semaphore(%arg12 : memref<!tpu.dma_semaphore, #tpu.memory_space<semaphore_mem>>) {add = true}
      %dma_start3A_436 = arith.constant 7 : i32
      %dma_start3A_437 = arith.constant 140 : i32
      %dma_start3A_438 = arith.constant 0 : i32
      %dma_start3A_439 = tpu.memref_slice %arg6[%dma_start3A_437, %dma_start3A_438] : memref<160x128xf32, #tpu.memory_space<vmem>> -> memref<20x128xf32, #tpu.memory_space<vmem>>
      %dma_start3A_440 = arith.constant 0 : i32
      %dma_start3A_441 = tpu.memref_slice %arg8[%dma_start3A_436, %dma_start3A_440] : memref<8x20xi32, #tpu.memory_space<vmem>> -> memref<1x20xi32, #tpu.memory_space<vmem>>
      %dma_start3A_442 = tpu.memref_squeeze %dma_start3A_441 : memref<1x20xi32, #tpu.memory_space<vmem>> -> memref<20xi32, #tpu.memory_space<vmem>>
      %dma_start3A_443 = arith.constant 0 : i32
      %dma_start3A_444 = arith.constant 0 : i32
      %dma_start3A_445 = tpu.memref_slice %arg9[%dma_start3A_443, %dma_start3A_444] : memref<10000x128xf32, #tpu.memory_space<vmem_shared>> -> memref<10000x128xf32, #tpu.memory_space<vmem_shared>>
      tpu.enqueue_indirect_dma source(%dma_start3A_439 : memref<20x128xf32, #tpu.memory_space<vmem>>) target(%dma_start3A_445 : memref<10000x128xf32, #tpu.memory_space<vmem_shared>>) offsets(%dma_start3A_442 : memref<20xi32, #tpu.memory_space<vmem>>) semaphore(%arg12 : memref<!tpu.dma_semaphore, #tpu.memory_space<semaphore_mem>>) {add = true}
      %dma_wait3A_446 = arith.constant 0 : i32
      %dma_wait3A_447 = arith.constant 0 : i32
      %dma_wait3A_448 = arith.constant 0 : i32
      %dma_wait3A_449 = tpu.memref_slice %arg6[%dma_wait3A_447, %dma_wait3A_448] : memref<160x128xf32, #tpu.memory_space<vmem>> -> memref<20x128xf32, #tpu.memory_space<vmem>>
      %dma_wait3A_450 = arith.constant 0 : i32
      %dma_wait3A_451 = tpu.memref_slice %arg8[%dma_wait3A_446, %dma_wait3A_450] : memref<8x20xi32, #tpu.memory_space<vmem>> -> memref<1x20xi32, #tpu.memory_space<vmem>>
      %dma_wait3A_452 = tpu.memref_squeeze %dma_wait3A_451 : memref<1x20xi32, #tpu.memory_space<vmem>> -> memref<20xi32, #tpu.memory_space<vmem>>
      %dma_wait3A_453 = arith.constant 0 : i32
      %dma_wait3A_454 = arith.constant 0 : i32
      %dma_wait3A_455 = tpu.memref_slice %arg9[%dma_wait3A_453, %dma_wait3A_454] : memref<10000x128xf32, #tpu.memory_space<vmem_shared>> -> memref<10000x128xf32, #tpu.memory_space<vmem_shared>>
      tpu.wait_indirect_dma semaphore(%arg12 : memref<!tpu.dma_semaphore, #tpu.memory_space<semaphore_mem>>) src(%dma_wait3A_449 : memref<20x128xf32, #tpu.memory_space<vmem>>) dst(%dma_wait3A_455 : memref<10000x128xf32, #tpu.memory_space<vmem_shared>>)
      %dma_wait3A_456 = arith.constant 1 : i32
      %dma_wait3A_457 = arith.constant 20 : i32
      %dma_wait3A_458 = arith.constant 0 : i32
      %dma_wait3A_459 = tpu.memref_slice %arg6[%dma_wait3A_457, %dma_wait3A_458] : memref<160x128xf32, #tpu.memory_space<vmem>> -> memref<20x128xf32, #tpu.memory_space<vmem>>
      %dma_wait3A_460 = arith.constant 0 : i32
      %dma_wait3A_461 = tpu.memref_slice %arg8[%dma_wait3A_456, %dma_wait3A_460] : memref<8x20xi32, #tpu.memory_space<vmem>> -> memref<1x20xi32, #tpu.memory_space<vmem>>
      %dma_wait3A_462 = tpu.memref_squeeze %dma_wait3A_461 : memref<1x20xi32, #tpu.memory_space<vmem>> -> memref<20xi32, #tpu.memory_space<vmem>>
      %dma_wait3A_463 = arith.constant 0 : i32
      %dma_wait3A_464 = arith.constant 0 : i32
      %dma_wait3A_465 = tpu.memref_slice %arg9[%dma_wait3A_463, %dma_wait3A_464] : memref<10000x128xf32, #tpu.memory_space<vmem_shared>> -> memref<10000x128xf32, #tpu.memory_space<vmem_shared>>
      tpu.wait_indirect_dma semaphore(%arg12 : memref<!tpu.dma_semaphore, #tpu.memory_space<semaphore_mem>>) src(%dma_wait3A_459 : memref<20x128xf32, #tpu.memory_space<vmem>>) dst(%dma_wait3A_465 : memref<10000x128xf32, #tpu.memory_space<vmem_shared>>)
      %dma_wait3A_466 = arith.constant 2 : i32
      %dma_wait3A_467 = arith.constant 40 : i32
      %dma_wait3A_468 = arith.constant 0 : i32
      %dma_wait3A_469 = tpu.memref_slice %arg6[%dma_wait3A_467, %dma_wait3A_468] : memref<160x128xf32, #tpu.memory_space<vmem>> -> memref<20x128xf32, #tpu.memory_space<vmem>>
      %dma_wait3A_470 = arith.constant 0 : i32
      %dma_wait3A_471 = tpu.memref_slice %arg8[%dma_wait3A_466, %dma_wait3A_470] : memref<8x20xi32, #tpu.memory_space<vmem>> -> memref<1x20xi32, #tpu.memory_space<vmem>>
      %dma_wait3A_472 = tpu.memref_squeeze %dma_wait3A_471 : memref<1x20xi32, #tpu.memory_space<vmem>> -> memref<20xi32, #tpu.memory_space<vmem>>
      %dma_wait3A_473 = arith.constant 0 : i32
      %dma_wait3A_474 = arith.constant 0 : i32
      %dma_wait3A_475 = tpu.memref_slice %arg9[%dma_wait3A_473, %dma_wait3A_474] : memref<10000x128xf32, #tpu.memory_space<vmem_shared>> -> memref<10000x128xf32, #tpu.memory_space<vmem_shared>>
      tpu.wait_indirect_dma semaphore(%arg12 : memref<!tpu.dma_semaphore, #tpu.memory_space<semaphore_mem>>) src(%dma_wait3A_469 : memref<20x128xf32, #tpu.memory_space<vmem>>) dst(%dma_wait3A_475 : memref<10000x128xf32, #tpu.memory_space<vmem_shared>>)
      %dma_wait3A_476 = arith.constant 3 : i32
      %dma_wait3A_477 = arith.constant 60 : i32
      %dma_wait3A_478 = arith.constant 0 : i32
      %dma_wait3A_479 = tpu.memref_slice %arg6[%dma_wait3A_477, %dma_wait3A_478] : memref<160x128xf32, #tpu.memory_space<vmem>> -> memref<20x128xf32, #tpu.memory_space<vmem>>
      %dma_wait3A_480 = arith.constant 0 : i32
      %dma_wait3A_481 = tpu.memref_slice %arg8[%dma_wait3A_476, %dma_wait3A_480] : memref<8x20xi32, #tpu.memory_space<vmem>> -> memref<1x20xi32, #tpu.memory_space<vmem>>
      %dma_wait3A_482 = tpu.memref_squeeze %dma_wait3A_481 : memref<1x20xi32, #tpu.memory_space<vmem>> -> memref<20xi32, #tpu.memory_space<vmem>>
      %dma_wait3A_483 = arith.constant 0 : i32
      %dma_wait3A_484 = arith.constant 0 : i32
      %dma_wait3A_485 = tpu.memref_slice %arg9[%dma_wait3A_483, %dma_wait3A_484] : memref<10000x128xf32, #tpu.memory_space<vmem_shared>> -> memref<10000x128xf32, #tpu.memory_space<vmem_shared>>
      tpu.wait_indirect_dma semaphore(%arg12 : memref<!tpu.dma_semaphore, #tpu.memory_space<semaphore_mem>>) src(%dma_wait3A_479 : memref<20x128xf32, #tpu.memory_space<vmem>>) dst(%dma_wait3A_485 : memref<10000x128xf32, #tpu.memory_space<vmem_shared>>)
      %dma_wait3A_486 = arith.constant 4 : i32
      %dma_wait3A_487 = arith.constant 80 : i32
      %dma_wait3A_488 = arith.constant 0 : i32
      %dma_wait3A_489 = tpu.memref_slice %arg6[%dma_wait3A_487, %dma_wait3A_488] : memref<160x128xf32, #tpu.memory_space<vmem>> -> memref<20x128xf32, #tpu.memory_space<vmem>>
      %dma_wait3A_490 = arith.constant 0 : i32
      %dma_wait3A_491 = tpu.memref_slice %arg8[%dma_wait3A_486, %dma_wait3A_490] : memref<8x20xi32, #tpu.memory_space<vmem>> -> memref<1x20xi32, #tpu.memory_space<vmem>>
      %dma_wait3A_492 = tpu.memref_squeeze %dma_wait3A_491 : memref<1x20xi32, #tpu.memory_space<vmem>> -> memref<20xi32, #tpu.memory_space<vmem>>
      %dma_wait3A_493 = arith.constant 0 : i32
      %dma_wait3A_494 = arith.constant 0 : i32
      %dma_wait3A_495 = tpu.memref_slice %arg9[%dma_wait3A_493, %dma_wait3A_494] : memref<10000x128xf32, #tpu.memory_space<vmem_shared>> -> memref<10000x128xf32, #tpu.memory_space<vmem_shared>>
      tpu.wait_indirect_dma semaphore(%arg12 : memref<!tpu.dma_semaphore, #tpu.memory_space<semaphore_mem>>) src(%dma_wait3A_489 : memref<20x128xf32, #tpu.memory_space<vmem>>) dst(%dma_wait3A_495 : memref<10000x128xf32, #tpu.memory_space<vmem_shared>>)
      %dma_wait3A_496 = arith.constant 5 : i32
      %dma_wait3A_497 = arith.constant 100 : i32
      %dma_wait3A_498 = arith.constant 0 : i32
      %dma_wait3A_499 = tpu.memref_slice %arg6[%dma_wait3A_497, %dma_wait3A_498] : memref<160x128xf32, #tpu.memory_space<vmem>> -> memref<20x128xf32, #tpu.memory_space<vmem>>
      %dma_wait3A_500 = arith.constant 0 : i32
      %dma_wait3A_501 = tpu.memref_slice %arg8[%dma_wait3A_496, %dma_wait3A_500] : memref<8x20xi32, #tpu.memory_space<vmem>> -> memref<1x20xi32, #tpu.memory_space<vmem>>
      %dma_wait3A_502 = tpu.memref_squeeze %dma_wait3A_501 : memref<1x20xi32, #tpu.memory_space<vmem>> -> memref<20xi32, #tpu.memory_space<vmem>>
      %dma_wait3A_503 = arith.constant 0 : i32
      %dma_wait3A_504 = arith.constant 0 : i32
      %dma_wait3A_505 = tpu.memref_slice %arg9[%dma_wait3A_503, %dma_wait3A_504] : memref<10000x128xf32, #tpu.memory_space<vmem_shared>> -> memref<10000x128xf32, #tpu.memory_space<vmem_shared>>
      tpu.wait_indirect_dma semaphore(%arg12 : memref<!tpu.dma_semaphore, #tpu.memory_space<semaphore_mem>>) src(%dma_wait3A_499 : memref<20x128xf32, #tpu.memory_space<vmem>>) dst(%dma_wait3A_505 : memref<10000x128xf32, #tpu.memory_space<vmem_shared>>)
      %dma_wait3A_506 = arith.constant 6 : i32
      %dma_wait3A_507 = arith.constant 120 : i32
      %dma_wait3A_508 = arith.constant 0 : i32
      %dma_wait3A_509 = tpu.memref_slice %arg6[%dma_wait3A_507, %dma_wait3A_508] : memref<160x128xf32, #tpu.memory_space<vmem>> -> memref<20x128xf32, #tpu.memory_space<vmem>>
      %dma_wait3A_510 = arith.constant 0 : i32
      %dma_wait3A_511 = tpu.memref_slice %arg8[%dma_wait3A_506, %dma_wait3A_510] : memref<8x20xi32, #tpu.memory_space<vmem>> -> memref<1x20xi32, #tpu.memory_space<vmem>>
      %dma_wait3A_512 = tpu.memref_squeeze %dma_wait3A_511 : memref<1x20xi32, #tpu.memory_space<vmem>> -> memref<20xi32, #tpu.memory_space<vmem>>
      %dma_wait3A_513 = arith.constant 0 : i32
      %dma_wait3A_514 = arith.constant 0 : i32
      %dma_wait3A_515 = tpu.memref_slice %arg9[%dma_wait3A_513, %dma_wait3A_514] : memref<10000x128xf32, #tpu.memory_space<vmem_shared>> -> memref<10000x128xf32, #tpu.memory_space<vmem_shared>>
      tpu.wait_indirect_dma semaphore(%arg12 : memref<!tpu.dma_semaphore, #tpu.memory_space<semaphore_mem>>) src(%dma_wait3A_509 : memref<20x128xf32, #tpu.memory_space<vmem>>) dst(%dma_wait3A_515 : memref<10000x128xf32, #tpu.memory_space<vmem_shared>>)
      %dma_wait3A_516 = arith.constant 7 : i32
      %dma_wait3A_517 = arith.constant 140 : i32
      %dma_wait3A_518 = arith.constant 0 : i32
      %dma_wait3A_519 = tpu.memref_slice %arg6[%dma_wait3A_517, %dma_wait3A_518] : memref<160x128xf32, #tpu.memory_space<vmem>> -> memref<20x128xf32, #tpu.memory_space<vmem>>
      %dma_wait3A_520 = arith.constant 0 : i32
      %dma_wait3A_521 = tpu.memref_slice %arg8[%dma_wait3A_516, %dma_wait3A_520] : memref<8x20xi32, #tpu.memory_space<vmem>> -> memref<1x20xi32, #tpu.memory_space<vmem>>
      %dma_wait3A_522 = tpu.memref_squeeze %dma_wait3A_521 : memref<1x20xi32, #tpu.memory_space<vmem>> -> memref<20xi32, #tpu.memory_space<vmem>>
      %dma_wait3A_523 = arith.constant 0 : i32
      %dma_wait3A_524 = arith.constant 0 : i32
      %dma_wait3A_525 = tpu.memref_slice %arg9[%dma_wait3A_523, %dma_wait3A_524] : memref<10000x128xf32, #tpu.memory_space<vmem_shared>> -> memref<10000x128xf32, #tpu.memory_space<vmem_shared>>
      tpu.wait_indirect_dma semaphore(%arg12 : memref<!tpu.dma_semaphore, #tpu.memory_space<semaphore_mem>>) src(%dma_wait3A_519 : memref<20x128xf32, #tpu.memory_space<vmem>>) dst(%dma_wait3A_525 : memref<10000x128xf32, #tpu.memory_space<vmem_shared>>)
      %convert_element_type3A_526 = arith.extui %lt3A_349 : i1 to i32
      %cond3A_527 = arith.constant 0 : i32
      %cond3A_528 = arith.cmpi ne, %convert_element_type3A_526, %cond3A_527 : i32
      scf.if %cond3A_528 {
        %mul3A_529 = arith.constant 16 : i32
        %mul3A_530 = arith.muli %add3A_347, %mul3A_529 : i32
        %add3A_531 = arith.addi %mul3A_530, %arg1 : i32
        %mul3A_532 = arith.constant 160 : i32
        %mul3A_533 = arith.muli %add3A_531, %mul3A_532 : i32
        %multiple_of3A_534 = tpu.assume_multiple %mul3A_533, 8 : i32
        %dma_start3A_535 = arith.constant 0 : i32
        %dma_start3A_536 = tpu.memref_slice %arg2[%arg0, %multiple_of3A_534, %dma_start3A_535] : memref<2x160000x128xf32, #tpu.memory_space<hbm>> -> memref<1x160x128xf32, #tpu.memory_space<hbm>>
        %dma_start3A_537 = tpu.memref_squeeze %dma_start3A_536 : memref<1x160x128xf32, #tpu.memory_space<hbm>> -> memref<160x128xf32, #tpu.memory_space<hbm>>
        %dma_start3A_538 = arith.constant 0 : i32
        %dma_start3A_539 = tpu.memref_slice %arg2[%arg0, %multiple_of3A_534, %dma_start3A_538] : memref<2x160000x128xf32, #tpu.memory_space<hbm>> -> memref<1x160x128xf32, #tpu.memory_space<hbm>>
        %dma_start3A_540 = tpu.memref_squeeze %dma_start3A_539 : memref<1x160x128xf32, #tpu.memory_space<hbm>> -> memref<160x128xf32, #tpu.memory_space<hbm>>
        tpu.enqueue_dma source(%dma_start3A_540 : memref<160x128xf32, #tpu.memory_space<hbm>>) target(%arg6 : memref<160x128xf32, #tpu.memory_space<vmem>>) target_semaphore(%arg11 : memref<!tpu.dma_semaphore, #tpu.memory_space<semaphore_mem>>)
        %mul3A_541 = arith.constant 8 : i32
        %mul3A_542 = arith.muli %add3A_531, %mul3A_541 : i32
        %multiple_of3A_543 = tpu.assume_multiple %mul3A_542, 8 : i32
        %dma_start3A_544 = arith.constant 0 : i32
        %dma_start3A_545 = tpu.memref_slice %arg3[%arg0, %multiple_of3A_543, %dma_start3A_544] : memref<2x8000x20xi32, #tpu.memory_space<hbm>> -> memref<1x8x20xi32, #tpu.memory_space<hbm>>
        %dma_start3A_546 = tpu.memref_squeeze %dma_start3A_545 : memref<1x8x20xi32, #tpu.memory_space<hbm>> -> memref<8x20xi32, #tpu.memory_space<hbm>>
        %dma_start3A_547 = arith.constant 0 : i32
        %dma_start3A_548 = tpu.memref_slice %arg3[%arg0, %multiple_of3A_543, %dma_start3A_547] : memref<2x8000x20xi32, #tpu.memory_space<hbm>> -> memref<1x8x20xi32, #tpu.memory_space<hbm>>
        %dma_start3A_549 = tpu.memref_squeeze %dma_start3A_548 : memref<1x8x20xi32, #tpu.memory_space<hbm>> -> memref<8x20xi32, #tpu.memory_space<hbm>>
        tpu.enqueue_dma source(%dma_start3A_549 : memref<8x20xi32, #tpu.memory_space<hbm>>) target(%arg8 : memref<8x20xi32, #tpu.memory_space<vmem>>) target_semaphore(%arg11 : memref<!tpu.dma_semaphore, #tpu.memory_space<semaphore_mem>>)
      } else {
      }
    }
    %scan3A_138 = arith.constant 31 : i32
    %lt3A = arith.constant 8 : i32
    %lt3A_139 = arith.cmpi slt, %arg1, %lt3A : i32
    %convert_element_type3A_140 = arith.extui %lt3A_139 : i1 to i32
    %cond3A_141 = arith.constant 0 : i32
    %cond3A_142 = arith.cmpi ne, %convert_element_type3A_140, %cond3A_141 : i32
    scf.if %cond3A_142 {
      %dma_wait3A_152 = arith.constant 0 : i32
      %dma_wait3A_153 = arith.constant 0 : i32
      %dma_wait3A_154 = tpu.memref_slice %arg2[%arg0, %dma_wait3A_152, %dma_wait3A_153] : memref<2x160000x128xf32, #tpu.memory_space<hbm>> -> memref<1x160x128xf32, #tpu.memory_space<hbm>>
      %dma_wait3A_155 = tpu.memref_squeeze %dma_wait3A_154 : memref<1x160x128xf32, #tpu.memory_space<hbm>> -> memref<160x128xf32, #tpu.memory_space<hbm>>
      %dma_wait3A_156 = arith.constant 0 : i32
      %dma_wait3A_157 = arith.constant 0 : i32
      %dma_wait3A_158 = tpu.memref_slice %arg2[%arg0, %dma_wait3A_156, %dma_wait3A_157] : memref<2x160000x128xf32, #tpu.memory_space<hbm>> -> memref<1x160x128xf32, #tpu.memory_space<hbm>>
      %dma_wait3A_159 = tpu.memref_squeeze %dma_wait3A_158 : memref<1x160x128xf32, #tpu.memory_space<hbm>> -> memref<160x128xf32, #tpu.memory_space<hbm>>
      tpu.wait_dma2 semaphore(%arg10 : memref<!tpu.dma_semaphore, #tpu.memory_space<semaphore_mem>>) src(%dma_wait3A_159 : memref<160x128xf32, #tpu.memory_space<hbm>>) dst(%arg5 : memref<160x128xf32, #tpu.memory_space<vmem>>)
      %dma_wait3A_160 = arith.constant 0 : i32
      %dma_wait3A_161 = arith.constant 0 : i32
      %dma_wait3A_162 = tpu.memref_slice %arg3[%arg0, %dma_wait3A_160, %dma_wait3A_161] : memref<2x8000x20xi32, #tpu.memory_space<hbm>> -> memref<1x8x20xi32, #tpu.memory_space<hbm>>
      %dma_wait3A_163 = tpu.memref_squeeze %dma_wait3A_162 : memref<1x8x20xi32, #tpu.memory_space<hbm>> -> memref<8x20xi32, #tpu.memory_space<hbm>>
      %dma_wait3A_164 = arith.constant 0 : i32
      %dma_wait3A_165 = arith.constant 0 : i32
      %dma_wait3A_166 = tpu.memref_slice %arg3[%arg0, %dma_wait3A_164, %dma_wait3A_165] : memref<2x8000x20xi32, #tpu.memory_space<hbm>> -> memref<1x8x20xi32, #tpu.memory_space<hbm>>
      %dma_wait3A_167 = tpu.memref_squeeze %dma_wait3A_166 : memref<1x8x20xi32, #tpu.memory_space<hbm>> -> memref<8x20xi32, #tpu.memory_space<hbm>>
      tpu.wait_dma2 semaphore(%arg10 : memref<!tpu.dma_semaphore, #tpu.memory_space<semaphore_mem>>) src(%dma_wait3A_167 : memref<8x20xi32, #tpu.memory_space<hbm>>) dst(%arg7 : memref<8x20xi32, #tpu.memory_space<vmem>>)
      %dma_start3A_168 = arith.constant 0 : i32
      %dma_start3A_169 = arith.constant 0 : i32
      %dma_start3A_170 = arith.constant 0 : i32
      %dma_start3A_171 = tpu.memref_slice %arg5[%dma_start3A_169, %dma_start3A_170] : memref<160x128xf32, #tpu.memory_space<vmem>> -> memref<20x128xf32, #tpu.memory_space<vmem>>
      %dma_start3A_172 = arith.constant 0 : i32
      %dma_start3A_173 = tpu.memref_slice %arg7[%dma_start3A_168, %dma_start3A_172] : memref<8x20xi32, #tpu.memory_space<vmem>> -> memref<1x20xi32, #tpu.memory_space<vmem>>
      %dma_start3A_174 = tpu.memref_squeeze %dma_start3A_173 : memref<1x20xi32, #tpu.memory_space<vmem>> -> memref<20xi32, #tpu.memory_space<vmem>>
      %dma_start3A_175 = arith.constant 0 : i32
      %dma_start3A_176 = arith.constant 0 : i32
      %dma_start3A_177 = tpu.memref_slice %arg9[%dma_start3A_175, %dma_start3A_176] : memref<10000x128xf32, #tpu.memory_space<vmem_shared>> -> memref<10000x128xf32, #tpu.memory_space<vmem_shared>>
      tpu.enqueue_indirect_dma source(%dma_start3A_171 : memref<20x128xf32, #tpu.memory_space<vmem>>) target(%dma_start3A_177 : memref<10000x128xf32, #tpu.memory_space<vmem_shared>>) offsets(%dma_start3A_174 : memref<20xi32, #tpu.memory_space<vmem>>) semaphore(%arg12 : memref<!tpu.dma_semaphore, #tpu.memory_space<semaphore_mem>>) {add = true}
      %dma_start3A_178 = arith.constant 1 : i32
      %dma_start3A_179 = arith.constant 20 : i32
      %dma_start3A_180 = arith.constant 0 : i32
      %dma_start3A_181 = tpu.memref_slice %arg5[%dma_start3A_179, %dma_start3A_180] : memref<160x128xf32, #tpu.memory_space<vmem>> -> memref<20x128xf32, #tpu.memory_space<vmem>>
      %dma_start3A_182 = arith.constant 0 : i32
      %dma_start3A_183 = tpu.memref_slice %arg7[%dma_start3A_178, %dma_start3A_182] : memref<8x20xi32, #tpu.memory_space<vmem>> -> memref<1x20xi32, #tpu.memory_space<vmem>>
      %dma_start3A_184 = tpu.memref_squeeze %dma_start3A_183 : memref<1x20xi32, #tpu.memory_space<vmem>> -> memref<20xi32, #tpu.memory_space<vmem>>
      %dma_start3A_185 = arith.constant 0 : i32
      %dma_start3A_186 = arith.constant 0 : i32
      %dma_start3A_187 = tpu.memref_slice %arg9[%dma_start3A_185, %dma_start3A_186] : memref<10000x128xf32, #tpu.memory_space<vmem_shared>> -> memref<10000x128xf32, #tpu.memory_space<vmem_shared>>
      tpu.enqueue_indirect_dma source(%dma_start3A_181 : memref<20x128xf32, #tpu.memory_space<vmem>>) target(%dma_start3A_187 : memref<10000x128xf32, #tpu.memory_space<vmem_shared>>) offsets(%dma_start3A_184 : memref<20xi32, #tpu.memory_space<vmem>>) semaphore(%arg12 : memref<!tpu.dma_semaphore, #tpu.memory_space<semaphore_mem>>) {add = true}
      %dma_start3A_188 = arith.constant 2 : i32
      %dma_start3A_189 = arith.constant 40 : i32
      %dma_start3A_190 = arith.constant 0 : i32
      %dma_start3A_191 = tpu.memref_slice %arg5[%dma_start3A_189, %dma_start3A_190] : memref<160x128xf32, #tpu.memory_space<vmem>> -> memref<20x128xf32, #tpu.memory_space<vmem>>
      %dma_start3A_192 = arith.constant 0 : i32
      %dma_start3A_193 = tpu.memref_slice %arg7[%dma_start3A_188, %dma_start3A_192] : memref<8x20xi32, #tpu.memory_space<vmem>> -> memref<1x20xi32, #tpu.memory_space<vmem>>
      %dma_start3A_194 = tpu.memref_squeeze %dma_start3A_193 : memref<1x20xi32, #tpu.memory_space<vmem>> -> memref<20xi32, #tpu.memory_space<vmem>>
      %dma_start3A_195 = arith.constant 0 : i32
      %dma_start3A_196 = arith.constant 0 : i32
      %dma_start3A_197 = tpu.memref_slice %arg9[%dma_start3A_195, %dma_start3A_196] : memref<10000x128xf32, #tpu.memory_space<vmem_shared>> -> memref<10000x128xf32, #tpu.memory_space<vmem_shared>>
      tpu.enqueue_indirect_dma source(%dma_start3A_191 : memref<20x128xf32, #tpu.memory_space<vmem>>) target(%dma_start3A_197 : memref<10000x128xf32, #tpu.memory_space<vmem_shared>>) offsets(%dma_start3A_194 : memref<20xi32, #tpu.memory_space<vmem>>) semaphore(%arg12 : memref<!tpu.dma_semaphore, #tpu.memory_space<semaphore_mem>>) {add = true}
      %dma_start3A_198 = arith.constant 3 : i32
      %dma_start3A_199 = arith.constant 60 : i32
      %dma_start3A_200 = arith.constant 0 : i32
      %dma_start3A_201 = tpu.memref_slice %arg5[%dma_start3A_199, %dma_start3A_200] : memref<160x128xf32, #tpu.memory_space<vmem>> -> memref<20x128xf32, #tpu.memory_space<vmem>>
      %dma_start3A_202 = arith.constant 0 : i32
      %dma_start3A_203 = tpu.memref_slice %arg7[%dma_start3A_198, %dma_start3A_202] : memref<8x20xi32, #tpu.memory_space<vmem>> -> memref<1x20xi32, #tpu.memory_space<vmem>>
      %dma_start3A_204 = tpu.memref_squeeze %dma_start3A_203 : memref<1x20xi32, #tpu.memory_space<vmem>> -> memref<20xi32, #tpu.memory_space<vmem>>
      %dma_start3A_205 = arith.constant 0 : i32
      %dma_start3A_206 = arith.constant 0 : i32
      %dma_start3A_207 = tpu.memref_slice %arg9[%dma_start3A_205, %dma_start3A_206] : memref<10000x128xf32, #tpu.memory_space<vmem_shared>> -> memref<10000x128xf32, #tpu.memory_space<vmem_shared>>
      tpu.enqueue_indirect_dma source(%dma_start3A_201 : memref<20x128xf32, #tpu.memory_space<vmem>>) target(%dma_start3A_207 : memref<10000x128xf32, #tpu.memory_space<vmem_shared>>) offsets(%dma_start3A_204 : memref<20xi32, #tpu.memory_space<vmem>>) semaphore(%arg12 : memref<!tpu.dma_semaphore, #tpu.memory_space<semaphore_mem>>) {add = true}
      %dma_start3A_208 = arith.constant 4 : i32
      %dma_start3A_209 = arith.constant 80 : i32
      %dma_start3A_210 = arith.constant 0 : i32
      %dma_start3A_211 = tpu.memref_slice %arg5[%dma_start3A_209, %dma_start3A_210] : memref<160x128xf32, #tpu.memory_space<vmem>> -> memref<20x128xf32, #tpu.memory_space<vmem>>
      %dma_start3A_212 = arith.constant 0 : i32
      %dma_start3A_213 = tpu.memref_slice %arg7[%dma_start3A_208, %dma_start3A_212] : memref<8x20xi32, #tpu.memory_space<vmem>> -> memref<1x20xi32, #tpu.memory_space<vmem>>
      %dma_start3A_214 = tpu.memref_squeeze %dma_start3A_213 : memref<1x20xi32, #tpu.memory_space<vmem>> -> memref<20xi32, #tpu.memory_space<vmem>>
      %dma_start3A_215 = arith.constant 0 : i32
      %dma_start3A_216 = arith.constant 0 : i32
      %dma_start3A_217 = tpu.memref_slice %arg9[%dma_start3A_215, %dma_start3A_216] : memref<10000x128xf32, #tpu.memory_space<vmem_shared>> -> memref<10000x128xf32, #tpu.memory_space<vmem_shared>>
      tpu.enqueue_indirect_dma source(%dma_start3A_211 : memref<20x128xf32, #tpu.memory_space<vmem>>) target(%dma_start3A_217 : memref<10000x128xf32, #tpu.memory_space<vmem_shared>>) offsets(%dma_start3A_214 : memref<20xi32, #tpu.memory_space<vmem>>) semaphore(%arg12 : memref<!tpu.dma_semaphore, #tpu.memory_space<semaphore_mem>>) {add = true}
      %dma_start3A_218 = arith.constant 5 : i32
      %dma_start3A_219 = arith.constant 100 : i32
      %dma_start3A_220 = arith.constant 0 : i32
      %dma_start3A_221 = tpu.memref_slice %arg5[%dma_start3A_219, %dma_start3A_220] : memref<160x128xf32, #tpu.memory_space<vmem>> -> memref<20x128xf32, #tpu.memory_space<vmem>>
      %dma_start3A_222 = arith.constant 0 : i32
      %dma_start3A_223 = tpu.memref_slice %arg7[%dma_start3A_218, %dma_start3A_222] : memref<8x20xi32, #tpu.memory_space<vmem>> -> memref<1x20xi32, #tpu.memory_space<vmem>>
      %dma_start3A_224 = tpu.memref_squeeze %dma_start3A_223 : memref<1x20xi32, #tpu.memory_space<vmem>> -> memref<20xi32, #tpu.memory_space<vmem>>
      %dma_start3A_225 = arith.constant 0 : i32
      %dma_start3A_226 = arith.constant 0 : i32
      %dma_start3A_227 = tpu.memref_slice %arg9[%dma_start3A_225, %dma_start3A_226] : memref<10000x128xf32, #tpu.memory_space<vmem_shared>> -> memref<10000x128xf32, #tpu.memory_space<vmem_shared>>
      tpu.enqueue_indirect_dma source(%dma_start3A_221 : memref<20x128xf32, #tpu.memory_space<vmem>>) target(%dma_start3A_227 : memref<10000x128xf32, #tpu.memory_space<vmem_shared>>) offsets(%dma_start3A_224 : memref<20xi32, #tpu.memory_space<vmem>>) semaphore(%arg12 : memref<!tpu.dma_semaphore, #tpu.memory_space<semaphore_mem>>) {add = true}
      %dma_start3A_228 = arith.constant 6 : i32
      %dma_start3A_229 = arith.constant 120 : i32
      %dma_start3A_230 = arith.constant 0 : i32
      %dma_start3A_231 = tpu.memref_slice %arg5[%dma_start3A_229, %dma_start3A_230] : memref<160x128xf32, #tpu.memory_space<vmem>> -> memref<20x128xf32, #tpu.memory_space<vmem>>
      %dma_start3A_232 = arith.constant 0 : i32
      %dma_start3A_233 = tpu.memref_slice %arg7[%dma_start3A_228, %dma_start3A_232] : memref<8x20xi32, #tpu.memory_space<vmem>> -> memref<1x20xi32, #tpu.memory_space<vmem>>
      %dma_start3A_234 = tpu.memref_squeeze %dma_start3A_233 : memref<1x20xi32, #tpu.memory_space<vmem>> -> memref<20xi32, #tpu.memory_space<vmem>>
      %dma_start3A_235 = arith.constant 0 : i32
      %dma_start3A_236 = arith.constant 0 : i32
      %dma_start3A_237 = tpu.memref_slice %arg9[%dma_start3A_235, %dma_start3A_236] : memref<10000x128xf32, #tpu.memory_space<vmem_shared>> -> memref<10000x128xf32, #tpu.memory_space<vmem_shared>>
      tpu.enqueue_indirect_dma source(%dma_start3A_231 : memref<20x128xf32, #tpu.memory_space<vmem>>) target(%dma_start3A_237 : memref<10000x128xf32, #tpu.memory_space<vmem_shared>>) offsets(%dma_start3A_234 : memref<20xi32, #tpu.memory_space<vmem>>) semaphore(%arg12 : memref<!tpu.dma_semaphore, #tpu.memory_space<semaphore_mem>>) {add = true}
      %dma_start3A_238 = arith.constant 7 : i32
      %dma_start3A_239 = arith.constant 140 : i32
      %dma_start3A_240 = arith.constant 0 : i32
      %dma_start3A_241 = tpu.memref_slice %arg5[%dma_start3A_239, %dma_start3A_240] : memref<160x128xf32, #tpu.memory_space<vmem>> -> memref<20x128xf32, #tpu.memory_space<vmem>>
      %dma_start3A_242 = arith.constant 0 : i32
      %dma_start3A_243 = tpu.memref_slice %arg7[%dma_start3A_238, %dma_start3A_242] : memref<8x20xi32, #tpu.memory_space<vmem>> -> memref<1x20xi32, #tpu.memory_space<vmem>>
      %dma_start3A_244 = tpu.memref_squeeze %dma_start3A_243 : memref<1x20xi32, #tpu.memory_space<vmem>> -> memref<20xi32, #tpu.memory_space<vmem>>
      %dma_start3A_245 = arith.constant 0 : i32
      %dma_start3A_246 = arith.constant 0 : i32
      %dma_start3A_247 = tpu.memref_slice %arg9[%dma_start3A_245, %dma_start3A_246] : memref<10000x128xf32, #tpu.memory_space<vmem_shared>> -> memref<10000x128xf32, #tpu.memory_space<vmem_shared>>
      tpu.enqueue_indirect_dma source(%dma_start3A_241 : memref<20x128xf32, #tpu.memory_space<vmem>>) target(%dma_start3A_247 : memref<10000x128xf32, #tpu.memory_space<vmem_shared>>) offsets(%dma_start3A_244 : memref<20xi32, #tpu.memory_space<vmem>>) semaphore(%arg12 : memref<!tpu.dma_semaphore, #tpu.memory_space<semaphore_mem>>) {add = true}
      %dma_wait3A_248 = arith.constant 0 : i32
      %dma_wait3A_249 = arith.constant 0 : i32
      %dma_wait3A_250 = arith.constant 0 : i32
      %dma_wait3A_251 = tpu.memref_slice %arg5[%dma_wait3A_249, %dma_wait3A_250] : memref<160x128xf32, #tpu.memory_space<vmem>> -> memref<20x128xf32, #tpu.memory_space<vmem>>
      %dma_wait3A_252 = arith.constant 0 : i32
      %dma_wait3A_253 = tpu.memref_slice %arg7[%dma_wait3A_248, %dma_wait3A_252] : memref<8x20xi32, #tpu.memory_space<vmem>> -> memref<1x20xi32, #tpu.memory_space<vmem>>
      %dma_wait3A_254 = tpu.memref_squeeze %dma_wait3A_253 : memref<1x20xi32, #tpu.memory_space<vmem>> -> memref<20xi32, #tpu.memory_space<vmem>>
      %dma_wait3A_255 = arith.constant 0 : i32
      %dma_wait3A_256 = arith.constant 0 : i32
      %dma_wait3A_257 = tpu.memref_slice %arg9[%dma_wait3A_255, %dma_wait3A_256] : memref<10000x128xf32, #tpu.memory_space<vmem_shared>> -> memref<10000x128xf32, #tpu.memory_space<vmem_shared>>
      tpu.wait_indirect_dma semaphore(%arg12 : memref<!tpu.dma_semaphore, #tpu.memory_space<semaphore_mem>>) src(%dma_wait3A_251 : memref<20x128xf32, #tpu.memory_space<vmem>>) dst(%dma_wait3A_257 : memref<10000x128xf32, #tpu.memory_space<vmem_shared>>)
      %dma_wait3A_258 = arith.constant 1 : i32
      %dma_wait3A_259 = arith.constant 20 : i32
      %dma_wait3A_260 = arith.constant 0 : i32
      %dma_wait3A_261 = tpu.memref_slice %arg5[%dma_wait3A_259, %dma_wait3A_260] : memref<160x128xf32, #tpu.memory_space<vmem>> -> memref<20x128xf32, #tpu.memory_space<vmem>>
      %dma_wait3A_262 = arith.constant 0 : i32
      %dma_wait3A_263 = tpu.memref_slice %arg7[%dma_wait3A_258, %dma_wait3A_262] : memref<8x20xi32, #tpu.memory_space<vmem>> -> memref<1x20xi32, #tpu.memory_space<vmem>>
      %dma_wait3A_264 = tpu.memref_squeeze %dma_wait3A_263 : memref<1x20xi32, #tpu.memory_space<vmem>> -> memref<20xi32, #tpu.memory_space<vmem>>
      %dma_wait3A_265 = arith.constant 0 : i32
      %dma_wait3A_266 = arith.constant 0 : i32
      %dma_wait3A_267 = tpu.memref_slice %arg9[%dma_wait3A_265, %dma_wait3A_266] : memref<10000x128xf32, #tpu.memory_space<vmem_shared>> -> memref<10000x128xf32, #tpu.memory_space<vmem_shared>>
      tpu.wait_indirect_dma semaphore(%arg12 : memref<!tpu.dma_semaphore, #tpu.memory_space<semaphore_mem>>) src(%dma_wait3A_261 : memref<20x128xf32, #tpu.memory_space<vmem>>) dst(%dma_wait3A_267 : memref<10000x128xf32, #tpu.memory_space<vmem_shared>>)
      %dma_wait3A_268 = arith.constant 2 : i32
      %dma_wait3A_269 = arith.constant 40 : i32
      %dma_wait3A_270 = arith.constant 0 : i32
      %dma_wait3A_271 = tpu.memref_slice %arg5[%dma_wait3A_269, %dma_wait3A_270] : memref<160x128xf32, #tpu.memory_space<vmem>> -> memref<20x128xf32, #tpu.memory_space<vmem>>
      %dma_wait3A_272 = arith.constant 0 : i32
      %dma_wait3A_273 = tpu.memref_slice %arg7[%dma_wait3A_268, %dma_wait3A_272] : memref<8x20xi32, #tpu.memory_space<vmem>> -> memref<1x20xi32, #tpu.memory_space<vmem>>
      %dma_wait3A_274 = tpu.memref_squeeze %dma_wait3A_273 : memref<1x20xi32, #tpu.memory_space<vmem>> -> memref<20xi32, #tpu.memory_space<vmem>>
      %dma_wait3A_275 = arith.constant 0 : i32
      %dma_wait3A_276 = arith.constant 0 : i32
      %dma_wait3A_277 = tpu.memref_slice %arg9[%dma_wait3A_275, %dma_wait3A_276] : memref<10000x128xf32, #tpu.memory_space<vmem_shared>> -> memref<10000x128xf32, #tpu.memory_space<vmem_shared>>
      tpu.wait_indirect_dma semaphore(%arg12 : memref<!tpu.dma_semaphore, #tpu.memory_space<semaphore_mem>>) src(%dma_wait3A_271 : memref<20x128xf32, #tpu.memory_space<vmem>>) dst(%dma_wait3A_277 : memref<10000x128xf32, #tpu.memory_space<vmem_shared>>)
      %dma_wait3A_278 = arith.constant 3 : i32
      %dma_wait3A_279 = arith.constant 60 : i32
      %dma_wait3A_280 = arith.constant 0 : i32
      %dma_wait3A_281 = tpu.memref_slice %arg5[%dma_wait3A_279, %dma_wait3A_280] : memref<160x128xf32, #tpu.memory_space<vmem>> -> memref<20x128xf32, #tpu.memory_space<vmem>>
      %dma_wait3A_282 = arith.constant 0 : i32
      %dma_wait3A_283 = tpu.memref_slice %arg7[%dma_wait3A_278, %dma_wait3A_282] : memref<8x20xi32, #tpu.memory_space<vmem>> -> memref<1x20xi32, #tpu.memory_space<vmem>>
      %dma_wait3A_284 = tpu.memref_squeeze %dma_wait3A_283 : memref<1x20xi32, #tpu.memory_space<vmem>> -> memref<20xi32, #tpu.memory_space<vmem>>
      %dma_wait3A_285 = arith.constant 0 : i32
      %dma_wait3A_286 = arith.constant 0 : i32
      %dma_wait3A_287 = tpu.memref_slice %arg9[%dma_wait3A_285, %dma_wait3A_286] : memref<10000x128xf32, #tpu.memory_space<vmem_shared>> -> memref<10000x128xf32, #tpu.memory_space<vmem_shared>>
      tpu.wait_indirect_dma semaphore(%arg12 : memref<!tpu.dma_semaphore, #tpu.memory_space<semaphore_mem>>) src(%dma_wait3A_281 : memref<20x128xf32, #tpu.memory_space<vmem>>) dst(%dma_wait3A_287 : memref<10000x128xf32, #tpu.memory_space<vmem_shared>>)
      %dma_wait3A_288 = arith.constant 4 : i32
      %dma_wait3A_289 = arith.constant 80 : i32
      %dma_wait3A_290 = arith.constant 0 : i32
      %dma_wait3A_291 = tpu.memref_slice %arg5[%dma_wait3A_289, %dma_wait3A_290] : memref<160x128xf32, #tpu.memory_space<vmem>> -> memref<20x128xf32, #tpu.memory_space<vmem>>
      %dma_wait3A_292 = arith.constant 0 : i32
      %dma_wait3A_293 = tpu.memref_slice %arg7[%dma_wait3A_288, %dma_wait3A_292] : memref<8x20xi32, #tpu.memory_space<vmem>> -> memref<1x20xi32, #tpu.memory_space<vmem>>
      %dma_wait3A_294 = tpu.memref_squeeze %dma_wait3A_293 : memref<1x20xi32, #tpu.memory_space<vmem>> -> memref<20xi32, #tpu.memory_space<vmem>>
      %dma_wait3A_295 = arith.constant 0 : i32
      %dma_wait3A_296 = arith.constant 0 : i32
      %dma_wait3A_297 = tpu.memref_slice %arg9[%dma_wait3A_295, %dma_wait3A_296] : memref<10000x128xf32, #tpu.memory_space<vmem_shared>> -> memref<10000x128xf32, #tpu.memory_space<vmem_shared>>
      tpu.wait_indirect_dma semaphore(%arg12 : memref<!tpu.dma_semaphore, #tpu.memory_space<semaphore_mem>>) src(%dma_wait3A_291 : memref<20x128xf32, #tpu.memory_space<vmem>>) dst(%dma_wait3A_297 : memref<10000x128xf32, #tpu.memory_space<vmem_shared>>)
      %dma_wait3A_298 = arith.constant 5 : i32
      %dma_wait3A_299 = arith.constant 100 : i32
      %dma_wait3A_300 = arith.constant 0 : i32
      %dma_wait3A_301 = tpu.memref_slice %arg5[%dma_wait3A_299, %dma_wait3A_300] : memref<160x128xf32, #tpu.memory_space<vmem>> -> memref<20x128xf32, #tpu.memory_space<vmem>>
      %dma_wait3A_302 = arith.constant 0 : i32
      %dma_wait3A_303 = tpu.memref_slice %arg7[%dma_wait3A_298, %dma_wait3A_302] : memref<8x20xi32, #tpu.memory_space<vmem>> -> memref<1x20xi32, #tpu.memory_space<vmem>>
      %dma_wait3A_304 = tpu.memref_squeeze %dma_wait3A_303 : memref<1x20xi32, #tpu.memory_space<vmem>> -> memref<20xi32, #tpu.memory_space<vmem>>
      %dma_wait3A_305 = arith.constant 0 : i32
      %dma_wait3A_306 = arith.constant 0 : i32
      %dma_wait3A_307 = tpu.memref_slice %arg9[%dma_wait3A_305, %dma_wait3A_306] : memref<10000x128xf32, #tpu.memory_space<vmem_shared>> -> memref<10000x128xf32, #tpu.memory_space<vmem_shared>>
      tpu.wait_indirect_dma semaphore(%arg12 : memref<!tpu.dma_semaphore, #tpu.memory_space<semaphore_mem>>) src(%dma_wait3A_301 : memref<20x128xf32, #tpu.memory_space<vmem>>) dst(%dma_wait3A_307 : memref<10000x128xf32, #tpu.memory_space<vmem_shared>>)
      %dma_wait3A_308 = arith.constant 6 : i32
      %dma_wait3A_309 = arith.constant 120 : i32
      %dma_wait3A_310 = arith.constant 0 : i32
      %dma_wait3A_311 = tpu.memref_slice %arg5[%dma_wait3A_309, %dma_wait3A_310] : memref<160x128xf32, #tpu.memory_space<vmem>> -> memref<20x128xf32, #tpu.memory_space<vmem>>
      %dma_wait3A_312 = arith.constant 0 : i32
      %dma_wait3A_313 = tpu.memref_slice %arg7[%dma_wait3A_308, %dma_wait3A_312] : memref<8x20xi32, #tpu.memory_space<vmem>> -> memref<1x20xi32, #tpu.memory_space<vmem>>
      %dma_wait3A_314 = tpu.memref_squeeze %dma_wait3A_313 : memref<1x20xi32, #tpu.memory_space<vmem>> -> memref<20xi32, #tpu.memory_space<vmem>>
      %dma_wait3A_315 = arith.constant 0 : i32
      %dma_wait3A_316 = arith.constant 0 : i32
      %dma_wait3A_317 = tpu.memref_slice %arg9[%dma_wait3A_315, %dma_wait3A_316] : memref<10000x128xf32, #tpu.memory_space<vmem_shared>> -> memref<10000x128xf32, #tpu.memory_space<vmem_shared>>
      tpu.wait_indirect_dma semaphore(%arg12 : memref<!tpu.dma_semaphore, #tpu.memory_space<semaphore_mem>>) src(%dma_wait3A_311 : memref<20x128xf32, #tpu.memory_space<vmem>>) dst(%dma_wait3A_317 : memref<10000x128xf32, #tpu.memory_space<vmem_shared>>)
      %dma_wait3A_318 = arith.constant 7 : i32
      %dma_wait3A_319 = arith.constant 140 : i32
      %dma_wait3A_320 = arith.constant 0 : i32
      %dma_wait3A_321 = tpu.memref_slice %arg5[%dma_wait3A_319, %dma_wait3A_320] : memref<160x128xf32, #tpu.memory_space<vmem>> -> memref<20x128xf32, #tpu.memory_space<vmem>>
      %dma_wait3A_322 = arith.constant 0 : i32
      %dma_wait3A_323 = tpu.memref_slice %arg7[%dma_wait3A_318, %dma_wait3A_322] : memref<8x20xi32, #tpu.memory_space<vmem>> -> memref<1x20xi32, #tpu.memory_space<vmem>>
      %dma_wait3A_324 = tpu.memref_squeeze %dma_wait3A_323 : memref<1x20xi32, #tpu.memory_space<vmem>> -> memref<20xi32, #tpu.memory_space<vmem>>
      %dma_wait3A_325 = arith.constant 0 : i32
      %dma_wait3A_326 = arith.constant 0 : i32
      %dma_wait3A_327 = tpu.memref_slice %arg9[%dma_wait3A_325, %dma_wait3A_326] : memref<10000x128xf32, #tpu.memory_space<vmem_shared>> -> memref<10000x128xf32, #tpu.memory_space<vmem_shared>>
      tpu.wait_indirect_dma semaphore(%arg12 : memref<!tpu.dma_semaphore, #tpu.memory_space<semaphore_mem>>) src(%dma_wait3A_321 : memref<20x128xf32, #tpu.memory_space<vmem>>) dst(%dma_wait3A_327 : memref<10000x128xf32, #tpu.memory_space<vmem_shared>>)
    } else {
    }
    %barrier3A_143 = arith.constant 0 : index
    tpu.barrier barrier_id(%barrier3A_143)
    %mul3A_144 = arith.constant 624 : i32
    %mul3A_145 = arith.muli %arg1, %mul3A_144 : i32
    %multiple_of3A_146 = tpu.assume_multiple %mul3A_145, 8 : i32
    "tpu.region"() ({
      %run_scoped3A = tpu.sem_alloc : memref<!tpu.dma_semaphore, #tpu.memory_space<semaphore_mem>>
      %dma_start3A_152 = arith.constant 0 : i32
      %dma_start3A_153 = tpu.memref_slice %arg4[%arg0, %multiple_of3A_146, %dma_start3A_152] : memref<2x10000x128xf32, #tpu.memory_space<hbm>> -> memref<1x624x128xf32, #tpu.memory_space<hbm>>
      %dma_start3A_154 = tpu.memref_squeeze %dma_start3A_153 : memref<1x624x128xf32, #tpu.memory_space<hbm>> -> memref<624x128xf32, #tpu.memory_space<hbm>>
      %dma_start3A_155 = arith.constant 0 : i32
      %dma_start3A_156 = tpu.memref_slice %arg9[%multiple_of3A_146, %dma_start3A_155] : memref<10000x128xf32, #tpu.memory_space<vmem_shared>> -> memref<624x128xf32, #tpu.memory_space<vmem_shared>>
      tpu.enqueue_dma source(%dma_start3A_156 : memref<624x128xf32, #tpu.memory_space<vmem_shared>>) target(%dma_start3A_154 : memref<624x128xf32, #tpu.memory_space<hbm>>) target_semaphore(%run_scoped3A : memref<!tpu.dma_semaphore, #tpu.memory_space<semaphore_mem>>)
      %dma_wait3A_157 = arith.constant 0 : i32
      %dma_wait3A_158 = tpu.memref_slice %arg4[%arg0, %multiple_of3A_146, %dma_wait3A_157] : memref<2x10000x128xf32, #tpu.memory_space<hbm>> -> memref<1x624x128xf32, #tpu.memory_space<hbm>>
      %dma_wait3A_159 = tpu.memref_squeeze %dma_wait3A_158 : memref<1x624x128xf32, #tpu.memory_space<hbm>> -> memref<624x128xf32, #tpu.memory_space<hbm>>
      %dma_wait3A_160 = arith.constant 0 : i32
      %dma_wait3A_161 = tpu.memref_slice %arg9[%multiple_of3A_146, %dma_wait3A_160] : memref<10000x128xf32, #tpu.memory_space<vmem_shared>> -> memref<624x128xf32, #tpu.memory_space<vmem_shared>>
      tpu.wait_dma2 semaphore(%run_scoped3A : memref<!tpu.dma_semaphore, #tpu.memory_space<semaphore_mem>>) src(%dma_wait3A_161 : memref<624x128xf32, #tpu.memory_space<vmem_shared>>) dst(%dma_wait3A_159 : memref<624x128xf32, #tpu.memory_space<hbm>>)
      tpu.yield
    }) : () -> ()
    %eq3A_147 = arith.constant 15 : i32
    %eq3A_148 = arith.cmpi eq, %arg1, %eq3A_147 : i32
    %convert_element_type3A_149 = arith.extui %eq3A_148 : i1 to i32
    %cond3A_150 = arith.constant 0 : i32
    %cond3A_151 = arith.cmpi ne, %convert_element_type3A_149, %cond3A_150 : i32
    scf.if %cond3A_151 {
      "tpu.region"() ({
        %run_scoped3A = tpu.sem_alloc : memref<!tpu.dma_semaphore, #tpu.memory_space<semaphore_mem>>
        %dma_start3A_152 = arith.constant 9984 : i32
        %dma_start3A_153 = arith.constant 0 : i32
        %dma_start3A_154 = tpu.memref_slice %arg4[%arg0, %dma_start3A_152, %dma_start3A_153] : memref<2x10000x128xf32, #tpu.memory_space<hbm>> -> memref<1x16x128xf32, #tpu.memory_space<hbm>>
        %dma_start3A_155 = tpu.memref_squeeze %dma_start3A_154 : memref<1x16x128xf32, #tpu.memory_space<hbm>> -> memref<16x128xf32, #tpu.memory_space<hbm>>
        %dma_start3A_156 = arith.constant 9984 : i32
        %dma_start3A_157 = arith.constant 0 : i32
        %dma_start3A_158 = tpu.memref_slice %arg9[%dma_start3A_156, %dma_start3A_157] : memref<10000x128xf32, #tpu.memory_space<vmem_shared>> -> memref<16x128xf32, #tpu.memory_space<vmem_shared>>
        tpu.enqueue_dma source(%dma_start3A_158 : memref<16x128xf32, #tpu.memory_space<vmem_shared>>) target(%dma_start3A_155 : memref<16x128xf32, #tpu.memory_space<hbm>>) target_semaphore(%run_scoped3A : memref<!tpu.dma_semaphore, #tpu.memory_space<semaphore_mem>>)
        %dma_wait3A_159 = arith.constant 9984 : i32
        %dma_wait3A_160 = arith.constant 0 : i32
        %dma_wait3A_161 = tpu.memref_slice %arg4[%arg0, %dma_wait3A_159, %dma_wait3A_160] : memref<2x10000x128xf32, #tpu.memory_space<hbm>> -> memref<1x16x128xf32, #tpu.memory_space<hbm>>
        %dma_wait3A_162 = tpu.memref_squeeze %dma_wait3A_161 : memref<1x16x128xf32, #tpu.memory_space<hbm>> -> memref<16x128xf32, #tpu.memory_space<hbm>>
        %dma_wait3A_163 = arith.constant 9984 : i32
        %dma_wait3A_164 = arith.constant 0 : i32
        %dma_wait3A_165 = tpu.memref_slice %arg9[%dma_wait3A_163, %dma_wait3A_164] : memref<10000x128xf32, #tpu.memory_space<vmem_shared>> -> memref<16x128xf32, #tpu.memory_space<vmem_shared>>
        tpu.wait_dma2 semaphore(%run_scoped3A : memref<!tpu.dma_semaphore, #tpu.memory_space<semaphore_mem>>) src(%dma_wait3A_165 : memref<16x128xf32, #tpu.memory_space<vmem_shared>>) dst(%dma_wait3A_162 : memref<16x128xf32, #tpu.memory_space<hbm>>)
        tpu.yield
      }) : () -> ()
    } else {
    }
    return
  }
}

</mosaic_0001>

<sc_bundles>
// kernel: kernel.3.cloned.1.call-start
scs
__scs_entry_jumppad:
0x0: {  	(pc) =	sbr.rel $0x88, $3  }
0x1: {  	(tag) =	ssettag $0x0;
	lr =	simm.s32 $0x1  }
0x2: {  	[smem:$0x3F9F] =	sst lr;
	_ =	strace $0xD0000000  }
0x3: {  	_ = 	snop  }
0x4: {  	_ = 	snop  }
0x5: {  	_ = 	snop  }
0x6: {  	_ = 	snop  }
0x7: {  	_ = 	snop  }
__scs_overlays_trampoline_lowered:
0x8: {  	[smem:$0x3FAE] =	sst s0  }
0x9: {  	[smem:$0x3FAF] =	sst s1  }
0xa: {  	[smem:$0x3FB0] =	sst s2  }
0xb: {  	[smem:$0x3FB1] =	sst s3  }
0xc: {  	[smem:$0x3FB2] =	sst s4  }
0xd: {  	[smem:$0x3FB3] =	sst s5  }
0xe: {  	[smem:$0x3FB4] =	sst s6  }
0xf: {  	[smem:$0x3FB5] =	sst s7  }
0x10: {  	[smem:$0x3FB6] =	sst s8  }
0x11: {  	[smem:$0x3FB7] =	sst s9;
	s0 =	simm.s32 @!p0 $0x0  }
0x12: {  	s1 =	sld [smem:$0x3F9D];
	s0 =	simm.s32 @p0 $0x1  }
0x13: {  	[smem:$0x3FB8] =	sst s0;
	s0 =	simm.s32 @!p1 $0x0  }
0x14: {  	s2 =	sld [smem:$0x3F9C];
	s0 =	simm.s32 @p1 $0x1  }
0x15: {  	[smem:$0x3FB9] =	sst s0;
	s0 =	simm.s32 @!p2 $0x0  }
0x16: {  	s3 =	sld [smem:$0x3FDB];
	s0 =	simm.s32 @p2 $0x1  }
0x17: {  	s4 =	simm.s32 $0x1BF5;
	[smem:$0x3FBB] =	sst s0  }
0x18: {  	s0 =	sld [smem:$0x3F9E];
	_ =	swait.ge [sflag:s4], $0x0  }
0x19: {  	s7 =	sld [smem:$0x3F9F]  }
0x1a: {  	s8 =	sadd.s32 $0xFFFFE003, lr  }
0x1b: {  	s9 =	sadd.s32 $0xFFFFFEF7, lr;
	s5 =	simm.s32 $0xFFFFFFFF;
	p2 =	slt.u32 s8, $0xFFFFF086  }
0x1c: {  	p1 =	slt.u32 s9, $0xF7A;
	s5 =	simm.s32 @!p2 $0x0  }
0x1d: {  	s5 =	simm.s32 @p1 $0x1;
	p0 =	seq.s32 s7, s2  }
0x1e: {  	s7 =	smul.u32 @!p0 $0xF7A, s2;
	p2 =	seq.s32 @!p0 s5, $0x0  }
0x1f: {  	s9 =	smul.u32 $0xF7A, s1;
	s8 =	simm.s32 @!p0 $0x1BF5;
	p2 =	por !p2, p0  }
0x20: {  	[sflag:s8] =	ssyncset.s32 @!p0 $0xFFFFF086;
	s6 =	sadd.s32 @!p0 s3, s7;
	s7 =	simm.s32 @!p0 $0x108  }
0x21: {  	s3 =	sadd.s32 s3, s9;
	s6 =	sadd.s32 @!p0 $0x88, s6;
	s7 =	simm.s32 @p2 $0x1082  }
0x22: {  	[simem:s7], [sflag:s8] =	dma.local @!p0 [hbm:s6], $0xF7A  }
0x23: {  	s9 =	sor.u32 $0xD0000000, s2;
	s6 =	simm.s32 $0x108;
	_ =	swait.ge @!p0 [sflag:s8], $0x0  }
0x24: {  	s3 =	sadd.s32 $0x88, s3;
	s6 =	simm.s32 @!p1 $0x1082;
	[sflag:s4] =	ssyncset.s32 $0xFFFFF086  }
0x25: {  	[simem:s6], [sflag:s4] =	dma.local [hbm:s3], $0xF7A  }
0x26: {  	[smem:$0x3F9F] =	sst s1;
	(tag) =	ssettag s2;
	_ =	strace s9  }
0x27: {  	s1 =	sld [smem:$0x3FAF]  }
0x28: {  	s2 =	sld [smem:$0x3FB0]  }
0x29: {  	s4 =	sld [smem:$0x3FB2]  }
0x2a: {  	p0 =	seq.s32 s5, $0x0;
	s5 =	sld [smem:$0x3FB3]  }
0x2b: {  	s6 =	sld [smem:$0x3FB4]  }
0x2c: {  	s7 =	sld [smem:$0x3FB5]  }
0x2d: {  	s3 =	simm.s32 $0x108;
	s8 =	sld [smem:$0x3FB6]  }
0x2e: {  	s3 =	simm.s32 @!p0 $0x1082;
	s9 =	sld [smem:$0x3FB7]  }
0x2f: {  	lr =	sadd.s32 s0, s3;
	s0 =	sld [smem:$0x3FAE]  }
0x30: {  	s3 =	sld [smem:$0x3FB1]  }
0x31: {  	[smem:$0x3FBA] =	sst s10  }
0x32: {  	s10 =	sld [smem:$0x3FB8];
	_ =	sdelay $0x3  }
0x33: {  	p0 =	seq.s32 s10, $0x1;
	s10 =	sld [smem:$0x3FBA];
	_ =	sdelay $0x3  }
0x34: {  	[smem:$0x3FBA] =	sst s10  }
0x35: {  	s10 =	sld [smem:$0x3FB9];
	_ =	sdelay $0x3  }
0x36: {  	p1 =	seq.s32 s10, $0x1;
	s10 =	sld [smem:$0x3FBA];
	_ =	sdelay $0x3  }
0x37: {  	[smem:$0x3FBA] =	sst s10  }
0x38: {  	s10 =	sld [smem:$0x3FBB]  }
0x39: {  	_ = 	snop;
	(pc) =	sbr.ind lr, $3  }
0x3a: {  	_ = 	snop  }
0x3b: {  	_ = 	snop  }
0x3c: {  	p2 =	seq.s32 s10, $0x1;
	s10 =	sld [smem:$0x3FBA]  }
0x3d: {  	_ =	shalt  }
0x3e: {  	_ =	shalt  }
0x3f: {  	_ =	shalt  }
0x40: {  	_ =	shalt  }
0x41: {  	_ =	shalt  }
0x42: {  	_ =	shalt  }
0x43: {  	_ =	shalt  }
0x44: {  	_ =	shalt  }
0x45: {  	_ =	shalt  }
0x46: {  	_ =	shalt  }
0x47: {  	_ =	shalt  }
0x48: {  	_ =	shalt  }
0x49: {  	_ =	shalt  }
0x4a: {  	_ =	shalt  }
0x4b: {  	_ =	shalt  }
0x4c: {  	_ =	shalt  }
0x4d: {  	_ =	shalt  }
0x4e: {  	_ =	shalt  }
0x4f: {  	_ =	shalt  }
0x50: {  	_ =	shalt  }
0x51: {  	_ =	shalt  }
0x52: {  	_ =	shalt  }
0x53: {  	_ =	shalt  }
0x54: {  	_ =	shalt  }
0x55: {  	_ =	shalt  }
0x56: {  	_ =	shalt  }
0x57: {  	_ =	shalt  }
0x58: {  	_ =	shalt  }
0x59: {  	_ =	shalt  }
0x5a: {  	_ =	shalt  }
0x5b: {  	_ =	shalt  }
0x5c: {  	_ =	shalt  }
0x5d: {  	_ =	shalt  }
0x5e: {  	_ =	shalt  }
0x5f: {  	_ =	shalt  }
0x60: {  	_ =	shalt  }
0x61: {  	_ =	shalt  }
0x62: {  	_ =	shalt  }
0x63: {  	_ =	shalt  }
0x64: {  	_ =	shalt  }
0x65: {  	_ =	shalt  }
0x66: {  	_ =	shalt  }
0x67: {  	_ =	shalt  }
0x68: {  	_ =	shalt  }
0x69: {  	_ =	shalt  }
0x6a: {  	_ =	shalt  }
0x6b: {  	_ =	shalt  }
0x6c: {  	_ =	shalt  }
0x6d: {  	_ =	shalt  }
0x6e: {  	_ =	shalt  }
0x6f: {  	_ =	shalt  }
0x70: {  	_ =	shalt  }
0x71: {  	_ =	shalt  }
0x72: {  	_ =	shalt  }
0x73: {  	_ =	shalt  }
0x74: {  	_ =	shalt  }
0x75: {  	_ =	shalt  }
0x76: {  	_ =	shalt  }
0x77: {  	_ =	shalt  }
0x78: {  	_ =	shalt  }
0x79: {  	_ =	shalt  }
0x7a: {  	_ =	shalt  }
0x7b: {  	_ =	shalt  }
0x7c: {  	_ =	shalt  }
0x7d: {  	_ =	shalt  }
0x7e: {  	_ =	shalt  }
0x7f: {  	_ =	shalt  }
0x80: {  	_ =	shalt  }
0x81: {  	_ =	shalt  }
0x82: {  	_ =	shalt  }
0x83: {  	_ =	shalt  }
0x84: {  	_ =	shalt  }
0x85: {  	_ =	shalt  }
0x86: {  	_ =	shalt  }
0x87: {  	_ =	shalt  }
.Lfunc_end0:
.L_simem_size_0:
called_computation_lowered:
.L_overlay_start_0:
0x88: {  	s2 =	sld [smem:$0x3FD9]  }
0x89: {  	s3 =	sld [smem:$0x3FFE];
	_ =	sdelay $0x1  }
0x8a: {  	s1 =	srdreg.scid  }
0x8b: {  	s0 =	sand.u32 $0x1, s1  }
0x8c: {  	s17 =	sshll.u32 s0, $0xA;
	s2 =	sadd.s32 s3, s2  }
0x8d: {  	s2 =	sadd.s32 s2, s17  }
0x8e: {  	[smem:$0x3FC6] =	sst s2  }
0x8f: {  	_ = 	snop  }
0x90: {  	s2 =	sld [smem:$0x3FC9]  }
0x91: {  	s18 =	sld [smem:$0x3FD0];
	(tm) =	ssettm $0x1  }
0x92: {  	s4 =	sld [smem:$0x3FFB];
	_ =	sdelay $0x3  }
0x93: {  	_ =	strace s4  }
0x94: {  	s4 =	sld [smem:$0x3FFC];
	_ =	sdelay $0x3  }
0x95: {  	_ =	strace s4  }
0x96: {  	s4 =	sld [smem:$0x3FFD];
	_ =	sdelay $0x3  }
0x97: {  	_ =	strace s4  }
0x98: {  	_ =	strace $0x8FFFFFFF  }
0x99: {  	s19 =	sld [smem:$0x3FDB];
	_ =	sdelay $0x1  }
0x9a: {  	s5 =	simm.s32 $_scs_section_size  }
0x9b: {  	s6 =	simm.s32 $_size__tile_overlayer_lowered;
	s7 =	simm.s32 $_tile_overlayer_lowered  }
0x9c: {  	s22 =	simm.s32 $0x1BFF;
	s21 =	sshll.u32 s7, $0x1;
	s4 =	sadd.s32 s5, s19  }
0x9d: {  	s8 =	simm.s32 $0x0;
	s20 =	sshll.u32 s6, $0x1;
	s6 =	sadd.s32 s21, s4  }
0x9e: {  	[timem:s8], [sflag:s22] =	dma.local [hbm:s6], s20  }
0x9f: {  	_ =	swait.ge [sflag:s22], s20  }
0xa0: {  	s5 =	ssub.s32 $0x0, s20;
	[sflag:s22] =	ssyncset.done $0x0  }
0xa1: {  	[sflag:s22] =	ssyncadd.s32 s5;
	_ =	sdelay $0x1  }
0xa2: {  	s23 =	simm.s32 $0x1B8B  }
0xa3: {  	_ =	swait.ge [sflag:s23], $0x1  }
0xa4: {  	[sflag:s23] =	ssyncset.done $0x0  }
0xa5: {  	s25 =	simm.s32 $0x1B8E;
	s24 =	sld [smem:$0x3FFE];
	[sflag:s23] =	ssyncadd.s32 $0xFFFFFFFF  }
0xa6: {  	s26 =	simm.s32 $execute0_lowered;
	[smem:$0x3FD2] =	sst s25  }
0xa7: {  	s6 =	sshll.u32 s26, $0x1;
	_ =	strace $0x80000046;
	[dreg:$0x1] =	wrdreg $0xFFFFFFFF  }
0xa8: {  	s28 =	simm.s32 $_size_execute0_lowered;
	s4 =	sadd.s32 s4, s6;
	[dreg:$0x0] =	wrdreg $0x0  }
0xa9: {  	s6 =	sshll.u32 s28, $0x1;
	[dreg:$0x2] =	wrdreg s4  }
0xaa: {  	[dreg:$0x3] =	wrdreg s6  }
0xab: {  	[dreg:$0x4] =	wrdreg $0xC0  }
0xac: {  	_ =	task [dreg:s8], $0x5FFFF  }
0xad: {  	[dreg:$0x1] =	wrdreg $0xFFFFFFFF  }
0xae: {  	[dreg:$0x0] =	wrdreg $0x60  }
0xaf: {  	[dreg:$0x2] =	wrdreg s2  }
0xb0: {  	[dreg:$0x3] =	wrdreg s24  }
0xb1: {  	[dreg:$0x4] =	wrdreg s18  }
0xb2: {  	[dreg:$0x5] =	wrdreg $0xA8000  }
0xb3: {  	[dreg:$0x6] =	wrdreg $0x9  }
0xb4: {  	_ =	task.clear_ibuf [dreg:s8], $0x7FFFF;
	_ =	strace $0x90000046  }
0xb5: {  	s29 =	simm.s32 $0x9;
	_ =	strace $0x80000048  }
0xb6: {  	_ =	swait.ge [sflag:s29], $0x1  }
0xb7: {  	[sflag:s29] =	ssyncadd.s32 $0xFFFFFFFF  }
0xb8: {  	_ =	strace $0x90000048  }
0xb9: {  	_ =	sfence  }
0xba: {  	s30 =	sld [smem:$0x0];
	_ =	sdelay $0x2  }
0xbb: {  	s31 =	sshll.u32 s1, $0xD;
	s1 =	sshrl.u32 s1, $0x2  }
0xbc: {  	s3 =	sand.u32 $0x4000, s31;
	s1 =	sadd.s32 s1, s30  }
0xbd: {  	s0 =	sor.u32 s3, s0;
	s1 =	sshll.u32 s1, $0x11  }
0xbe: {  	s0 =	sor.u32 s1, s0  }
0xbf: {  	s0 =	sadd.s32 $0x8F2B, s0  }
0xc0: {  	[sflag:s0] =	ssyncadd.remote.s32 $0x1  }
0xc1: {  	_ =	sfence.sel $0xFFFF  }
0xc2: {  	[dreg:$0x0] =	wrdreg $0xFFFFFFFF;
	(pc) =	sbr.abs _section_cstart, $3  }
0xc3: {  	[dreg:$0x1] =	wrdreg $0xFFFFFFFF  }
0xc4: {  	_ =	task.clear_ibuf [dreg:s8], $0x2FFFF;
	_ =	strace $0x9FFFFFFF  }
0xc5: {  	(tm) =	ssettm $0x7FFFFFFF  }
tec
execute0_lowered:
.L_overlay_start_1:
0x0: {  	(tag) =	ssettag $0x1  }
0x1: {  	s12 =	rddreg [dreg:$0x0]  }
0x2: {  	s0 =	rddreg [dreg:$0x1]  }
0x3: {  	s1 =	rddreg [dreg:$0x2]  }
0x4: {  	s2 =	rddreg [dreg:$0x3]  }
0x5: {  	s3 =	srdreg.scid;
	s4 =	simm.s32 $0x0;
	s13 =	stileid.u32  }
0x6: {  	s28 =	simm.s32 $0x14;
	s29 =	simm.s32 $0x7800;
	s30 =	simm.s32 $0xA680  }
0x7: {  	s31 =	simm.s32 $0x8200;
	s3 =	sand.u32 $0x1, s3;
	s6 =	smul.u32 $0x5000, s13  }
0x8: {  	[smem:$0x7FF] =	sst s4;
	s14 =	sadd.s32 $0x400, s0;
	s10 =	smul.u32 $0x4E000, s13  }
0x9: {  	s18 =	sshll.u32 s13, $0xA;
	s20 =	sor.u32 $0x10, s13;
	s25 =	smul.u32 $0x13800, s13  }
0xa: {  	s26 =	sadd.s32 $0x138000, s2;
	p0 =	sne.s32 s13, $0xF;
	s5 =	smul.u32 $0x1388000, s3  }
0xb: {  	p1 =	slt.u32 s13, $0x8;
	p2 =	sgt.u32 s13, $0x7;
	s7 =	smul.u32 $0xFA000, s3  }
0xc: {  	_ =	strace $0x80000047;
	s21 =	smul.u32 $0x5000, s20;
	[dreg:$0xc] =	wrdreg s26  }
0xd: {  	s16 =	ssub.s32 $0x2, s3;
	s3 =	smul.u32 $0x138800, s3;
	[dreg:$0x5] =	wrdreg s14  }
0xe: {  	s8 =	sshrl.u32 s16, $0x1;
	s19 =	sshrl.u32 s10, $0x2;
	s6 =	sadd.s32 s6, s5  }
0xf: {  	s0 =	ssub.s32 s16, s8;
	s8 =	sadd.s32 s18, s7;
	s15 =	sadd.s32 s19, s2  }
0x10: {  	s5 =	sadd.s32 s5, s21;
	s16 =	sadd.s32 s25, s3;
	s3 =	sshrl.u32 s3, $0x3  }
0x11: {  	s9 =	sshrl.u32 s6, $0x3;
	s11 =	sshrl.u32 s8, $0x3;
	s22 =	sadd.s32 $0x5000, s15  }
0x12: {  	s23 =	sadd.s32 $0xA000, s15;
	[dreg:$0x7] =	wrdreg s15;
	s24 =	sadd.s32 $0xF000, s15  }
0x13: {  	s15 =	sshll.u32 s20, $0xA;
	s5 =	sshrl.u32 s5, $0x3;
	s18 =	sshrl.u32 s16, $0x3  }
0x14: {  	s20 =	sadd.s32 $0xC000, s8;
	s21 =	sadd.s32 $0xF0000, s6;
	s0 =	smax.u32 s0, $0x1  }
0x15: {  	s25 =	sadd.s32 $0x8000, s8;
	s26 =	sadd.s32 $0xA0000, s6;
	[dreg:$0x9] =	wrdreg s22  }
0x16: {  	s6 =	simm.s32 $0xA780;
	s8 =	simm.s32 $0x9600;
	[dreg:$0xa] =	wrdreg s23  }
0x17: {  	s17 =	sadd.s32 s12, s9;
	s11 =	sadd.s32 s14, s11;
	[dreg:$0xb] =	wrdreg s24  }
0x18: {  	s7 =	sadd.s32 s7, s15;
	s5 =	sadd.s32 s12, s5;
	[dreg:$0x11] =	wrdreg s0  }
0x19: {  	s19 =	sadd.s32 s1, s18;
	s1 =	sadd.s32 s1, s3;
	[dreg:$0x13] =	wrdreg s25  }
0x1a: {  	s22 =	sshrl.u32 s20, $0x3;
	s23 =	sshrl.u32 s21, $0x3;
	[dreg:$0x14] =	wrdreg s26  }
0x1b: {  	s25 =	simm.s32 $0xA400;
	s26 =	simm.s32 $0x1;
	[dreg:$0x6] =	wrdreg s17  }
0x1c: {  	s15 =	simm.s32 $0xA080;
	s20 =	simm.s32 $0x5A00;
	[dreg:$0x8] =	wrdreg s11  }
0x1d: {  	s21 =	simm.s32 $0xA500;
	s0 =	simm.s32 $0xA700;
	[dreg:$0xd] =	wrdreg s5  }
0x1e: {  	s3 =	simm.s32 $0x8C00;
	s17 =	sshrl.u32 s7, $0x3;
	[dreg:$0xf] =	wrdreg s19  }
0x1f: {  	s1 =	sadd.s32 $0x27000, s1;
	s18 =	sadd.s32 s22, s14;
	s24 =	sadd.s32 s23, s12  }
.Ltmp0:
0x20: {  	s22 =	simm.s32 $0xA000;
	s23 =	simm.s32 $0x5000;
	(pc) =	sbr.rel .LBB2_1-.Ltmp0, $4  }
0x21: {  	s19 =	simm.s32 $0xA480;
	s12 =	simm.s32 $0x6400;
	s7 =	simm.s32 $0xA580  }
0x22: {  	s11 =	simm.s32 $0x0;
	s5 =	sadd.s32 s14, s17;
	[dreg:$0x10] =	wrdreg s1  }
0x23: {  	[dreg:$0x12] =	wrdreg s24;
	s24 =	simm.s32 $0x3;
	s17 =	simm.s32 $0x2  }
0x24: {  	v0 =	vimm.f32 $0.0e+00;
	s1 =	simm.s32 $0x6E00;
	[dreg:$0xe] =	wrdreg s5;
	s5 =	simm.s32 $0xA600  }
.LBB2_6:
0x25: {  	s9 =	simm.s32 @!p2 $0x1  }
0x26: {  	_ =	swait.ge @!p2 [sflag:s9], $0x5000  }
0x27: {  	[sflag:s9] =	ssyncset.done @!p2 $0x0  }
0x28: {  	[sflag:s9] =	ssyncadd.s32 @!p2 $0xFFFFB000  }
0x29: {  	_ =	swait.ge @!p2 [sflag:s9], $0x400  }
0x2a: {  	s10 =	simm.s32 @!p2 $0xA000;
	[sflag:s9] =	ssyncset.done @!p2 $0x0  }
0x2b: {  	s11 =	simm.s32 @!p2 $0x0;
	[sflag:s9] =	ssyncadd.s32 @!p2 $0xFFFFFC00;
	s9 =	simm.s32 @!p2 $0x14  }
0x2c: {  	[spmem:s2] =	stream.indirect.scatter.add.f32 @!p2 [tilespmem:s11], [sflag:$0x3], $0x80, s10, s9, $0xb8;
	[tilespmem:$0x1E080] =	vst v63  }
0x2d: {  	s10 =	simm.s32 @!p2 $0xA080;
	s11 =	simm.s32 @!p2 $0xA00  }
0x2e: {  	[spmem:s2] =	stream.indirect.scatter.add.f32 @!p2 [tilespmem:s11], [sflag:$0x3], $0x80, s10, s9, $0xb8;
	[tilespmem:$0x1E080] =	vst v63  }
0x2f: {  	s10 =	simm.s32 @!p2 $0xA100;
	s11 =	simm.s32 @!p2 $0x1400  }
0x30: {  	[spmem:s2] =	stream.indirect.scatter.add.f32 @!p2 [tilespmem:s11], [sflag:$0x3], $0x80, s10, s9, $0xb8;
	[tilespmem:$0x1E080] =	vst v63  }
0x31: {  	s10 =	simm.s32 @!p2 $0xA180;
	s11 =	simm.s32 @!p2 $0x1E00  }
0x32: {  	[spmem:s2] =	stream.indirect.scatter.add.f32 @!p2 [tilespmem:s11], [sflag:$0x3], $0x80, s10, s9, $0xb8;
	[tilespmem:$0x1E080] =	vst v63  }
0x33: {  	s10 =	simm.s32 @!p2 $0xA200;
	s11 =	simm.s32 @!p2 $0x2800  }
0x34: {  	[spmem:s2] =	stream.indirect.scatter.add.f32 @!p2 [tilespmem:s11], [sflag:$0x3], $0x80, s10, s9, $0xb8;
	[tilespmem:$0x1E080] =	vst v63  }
0x35: {  	s10 =	simm.s32 @!p2 $0xA280;
	s11 =	simm.s32 @!p2 $0x3200  }
0x36: {  	[spmem:s2] =	stream.indirect.scatter.add.f32 @!p2 [tilespmem:s11], [sflag:$0x3], $0x80, s10, s9, $0xb8;
	[tilespmem:$0x1E080] =	vst v63  }
0x37: {  	s10 =	simm.s32 @!p2 $0xA300;
	s11 =	simm.s32 @!p2 $0x3C00  }
0x38: {  	[spmem:s2] =	stream.indirect.scatter.add.f32 @!p2 [tilespmem:s11], [sflag:$0x3], $0x80, s10, s9, $0xb8;
	[tilespmem:$0x1E080] =	vst v63  }
0x39: {  	s10 =	simm.s32 @!p2 $0xA380;
	s11 =	simm.s32 @!p2 $0x4600  }
0x3a: {  	[spmem:s2] =	stream.indirect.scatter.add.f32 @!p2 [tilespmem:s11], [sflag:$0x3], $0x80, s10, s9, $0xb8;
	[tilespmem:$0x1E080] =	vst v63  }
0x3b: {  	s9 =	simm.s32 @!p2 $0x3  }
0x3c: {  	_ =	swait.ge @!p2 [sflag:s9], $0xA00  }
0x3d: {  	[sflag:s9] =	ssyncset.done @!p2 $0x0  }
0x3e: {  	[sflag:s9] =	ssyncadd.s32 @!p2 $0xFFFFF600  }
0x3f: {  	_ =	swait.ge @!p2 [sflag:s9], $0xA00  }
0x40: {  	[sflag:s9] =	ssyncset.done @!p2 $0x0  }
0x41: {  	[sflag:s9] =	ssyncadd.s32 @!p2 $0xFFFFF600  }
0x42: {  	_ =	swait.ge @!p2 [sflag:s9], $0xA00  }
0x43: {  	[sflag:s9] =	ssyncset.done @!p2 $0x0  }
0x44: {  	[sflag:s9] =	ssyncadd.s32 @!p2 $0xFFFFF600  }
0x45: {  	_ =	swait.ge @!p2 [sflag:s9], $0xA00  }
0x46: {  	[sflag:s9] =	ssyncset.done @!p2 $0x0  }
0x47: {  	[sflag:s9] =	ssyncadd.s32 @!p2 $0xFFFFF600  }
0x48: {  	_ =	swait.ge @!p2 [sflag:s9], $0xA00  }
0x49: {  	[sflag:s9] =	ssyncset.done @!p2 $0x0  }
0x4a: {  	[sflag:s9] =	ssyncadd.s32 @!p2 $0xFFFFF600  }
0x4b: {  	_ =	swait.ge @!p2 [sflag:s9], $0xA00  }
0x4c: {  	[sflag:s9] =	ssyncset.done @!p2 $0x0  }
0x4d: {  	[sflag:s9] =	ssyncadd.s32 @!p2 $0xFFFFF600  }
0x4e: {  	_ =	swait.ge @!p2 [sflag:s9], $0xA00  }
0x4f: {  	[sflag:s9] =	ssyncset.done @!p2 $0x0  }
0x50: {  	[sflag:s9] =	ssyncadd.s32 @!p2 $0xFFFFF600  }
0x51: {  	_ =	swait.ge @!p2 [sflag:s9], $0xA00  }
0x52: {  	[sflag:s9] =	ssyncset.done @!p2 $0x0  }
0x53: {  	[sflag:s9] =	ssyncadd.s32 @!p2 $0xFFFFF600  }
0x54: {  	s13 =	stileid.u32;
	[bflag:$0x0] =	sbarrier.arrive $0xFFFF  }
0x55: {  	s9 =	sshll.u32 s13, $0x6;
	s13 =	simm.s32 $0x4;
	s14 =	rddreg [dreg:$0x7]  }
0x56: {  	s9 =	sor.u32 $0x1C04, s9;
	s16 =	rddreg [dreg:$0xf];
	s10 =	sshrl.u32 s14, $0x3  }
0x57: {  	[hbm:s16], [sflag:s9] =	dma.local [spmem:s10], $0x2700  }
0x58: {  	_ =	swait.ge [sflag:s13], $0x2700  }
0x59: {  	[sflag:s13] =	ssyncset.done $0x0;
	s10 =	rddreg [dreg:$0xc]  }
0x5a: {  	s11 =	rddreg [dreg:$0x10];
	[sflag:s13] =	ssyncadd.s32 $0xFFFFD900;
	s10 =	sshrl.u32 @!p0 s10, $0x3  }
0x5b: {  	[hbm:s11], [sflag:s9] =	dma.local @!p0 [spmem:s10], $0x100  }
0x5c: {  	s9 =	simm.s32 @!p0 $0x4  }
0x5d: {  	_ =	swait.ge @!p0 [sflag:s9], $0x100  }
0x5e: {  	s14 =	rddreg [dreg:$0x15]  }
0x5f: {  	s16 =	rddreg [dreg:$0x11];
	s11 =	sadd.s32 $0x1, s14  }
0x60: {  	p3 =	sne.s32 s11, s16  }
.Ltmp1:
0x61: {  	_ = 	snop;
	(pc) =	sbr.rel @!p3 .LBB2_7-.Ltmp1, $3  }
0x62: {  	_ =	sdelay $0x1  }
0x63: {  	[sflag:s9] =	ssyncset.done @!p0 $0x0  }
0x64: {  	[sflag:s9] =	ssyncadd.s32 @!p0 $0xFFFFFF00  }
.LBB2_1:
0x65: {  	[dreg:$0x15] =	wrdreg s11  }
0x66: {  	s9 =	rddreg [dreg:$0x6]  }
0x67: {  	[tilespmem:s4], [sflag:$0x1] =	stream.linear.gather [hbm4b:s9+s4], $0x5000, $0x38;
	[tilespmem:$0x1E080] =	vst v63  }
0x68: {  	s16 =	rddreg [dreg:$0x8];
	s10 =	simm.s32 $0x200;
	s9 =	simm.s32 $0x0  }
0x69: {  	[tilespmem:s22], [sflag:$0x1] =	stream.linear.gather [hbm4b:s16+s4], $0x400, $0x38;
	[tilespmem:$0x1E080] =	vst v63  }
.LBB2_2:
0x6a: {  	p3 =	sne.s32 s10, $0x13E00;
	[tilespmem:s9+$0x5070] =	vst v0  }
0x6b: {  	[tilespmem:s9+$0x5000] =	vst v0  }
0x6c: {  	[tilespmem:s9+$0x5010] =	vst v0  }
.Ltmp2:
0x6d: {  	[tilespmem:s9+$0x5020] =	vst v0;
	(pc) =	sbr.rel @p3 .LBB2_2-.Ltmp2, $4  }
0x6e: {  	[tilespmem:s9+$0x5030] =	vst v0  }
0x6f: {  	[tilespmem:s9+$0x5040] =	vst v0  }
0x70: {  	[tilespmem:s9+$0x5050] =	vst v0  }
0x71: {  	[tilespmem:s9+$0x5060] =	vst v0;
	s9 =	sshra.s32 s10, $0x2;
	s10 =	sadd.s32 $0x200, s10  }
0x72: {  	[tilespmem:s9+$0x5070] =	vst v0  }
0x73: {  	[tilespmem:s9+$0x5000] =	vst v0  }
0x74: {  	[tilespmem:s9+$0x5010] =	vst v0  }
0x75: {  	[tilespmem:s9+$0x5020] =	vst v0  }
0x76: {  	[tilespmem:s9+$0x5030] =	vst v0  }
0x77: {  	[tilespmem:s9+$0x5040] =	vst v0  }
0x78: {  	[tilespmem:s9+$0x5050] =	vst v0  }
0x79: {  	[tilespmem:s9+$0x5060] =	vst v0;
	s16 =	rddreg [dreg:$0x7]  }
0x7a: {  	[spmem:s16] =	stream.linear.scatter [tilespmem:s23], [sflag:$0x3], $0x5000, $0x38;
	[tilespmem:$0x1E080] =	vst v63  }
0x7b: {  	s10 =	rddreg [dreg:$0x9]  }
0x7c: {  	[spmem:s10] =	stream.linear.scatter [tilespmem:s23], [sflag:$0x3], $0x5000, $0x38;
	[tilespmem:$0x1E080] =	vst v63  }
0x7d: {  	s11 =	rddreg [dreg:$0xa]  }
0x7e: {  	[spmem:s11] =	stream.linear.scatter [tilespmem:s23], [sflag:$0x3], $0x5000, $0x38;
	[tilespmem:$0x1E080] =	vst v63  }
0x7f: {  	s13 =	rddreg [dreg:$0xb]  }
0x80: {  	[spmem:s13] =	stream.linear.scatter [tilespmem:s23], [sflag:$0x3], $0x4800, $0x38;
	[tilespmem:$0x1E080] =	vst v63  }
0x81: {  	s9 =	simm.s32 @!p0 $0x5000;
	s10 =	rddreg [dreg:$0xc]  }
0x82: {  	[spmem:s10] =	stream.linear.scatter @!p0 [tilespmem:s9], [sflag:$0x3], $0x800, $0x38;
	[tilespmem:$0x1E080] =	vst v63  }
0x83: {  	s9 =	simm.s32 @!p0 $0x3  }
0x84: {  	_ =	swait.ge @!p0 [sflag:s9], $0x800  }
0x85: {  	[sflag:s9] =	ssyncset.done @!p0 $0x0  }
0x86: {  	[sflag:s9] =	ssyncadd.s32 @!p0 $0xFFFFF800  }
0x87: {  	_ =	swait.ge [sflag:s24], $0x5000  }
0x88: {  	[sflag:s24] =	ssyncset.done $0x0  }
0x89: {  	[sflag:s24] =	ssyncadd.s32 $0xFFFFB000  }
0x8a: {  	_ =	swait.ge [sflag:s24], $0x5000  }
0x8b: {  	[sflag:s24] =	ssyncset.done $0x0  }
0x8c: {  	[sflag:s24] =	ssyncadd.s32 $0xFFFFB000  }
0x8d: {  	_ =	swait.ge [sflag:s24], $0x5000  }
0x8e: {  	[sflag:s24] =	ssyncset.done $0x0  }
0x8f: {  	[sflag:s24] =	ssyncadd.s32 $0xFFFFB000  }
0x90: {  	_ =	swait.ge [sflag:s24], $0x4800  }
0x91: {  	[sflag:s24] =	ssyncset.done $0x0  }
0x92: {  	s9 =	simm.s32 $0x0;
	s14 =	rddreg [dreg:$0xd];
	[sflag:s24] =	ssyncadd.s32 $0xFFFFB800  }
0x93: {  	[tilespmem:s23], [sflag:$0x2] =	stream.linear.gather [hbm4b:s14+s9], $0x5000, $0x38;
	[tilespmem:$0x1E080] =	vst v63  }
0x94: {  	s16 =	rddreg [dreg:$0xe]  }
0x95: {  	[tilespmem:s25], [sflag:$0x2] =	stream.linear.gather [hbm4b:s16+s9], $0x400, $0x38;
	[tilespmem:$0x1E080] =	vst v63  }
0x96: {  	[bflag:$0x0] =	sbarrier.arrive $0xFFFF  }
0x97: {  	s10 =	rddreg [dreg:$0x14]  }
0x98: {  	s11 =	rddreg [dreg:$0x13]  }
0x99: {  	s13 =	rddreg [dreg:$0x12]  }
.LBB2_4:
0x9a: {  	_ =	swait.ge [sflag:s26], $0x5000  }
0x9b: {  	[sflag:s26] =	ssyncset.done $0x0  }
0x9c: {  	[sflag:s26] =	ssyncadd.s32 $0xFFFFB000  }
0x9d: {  	_ =	swait.ge [sflag:s26], $0x400  }
0x9e: {  	[sflag:s26] =	ssyncset.done $0x0  }
0x9f: {  	[sflag:s26] =	ssyncadd.s32 $0xFFFFFC00  }
0xa0: {  	[spmem:s2] =	stream.indirect.scatter.add.f32 [tilespmem:s4], [sflag:$0x3], $0x80, s22, s28, $0xb8;
	[tilespmem:$0x1E080] =	vst v63  }
0xa1: {  	s14 =	simm.s32 $0xA00  }
0xa2: {  	[spmem:s2] =	stream.indirect.scatter.add.f32 [tilespmem:s14], [sflag:$0x3], $0x80, s15, s28, $0xb8;
	[tilespmem:$0x1E080] =	vst v63  }
0xa3: {  	s16 =	simm.s32 $0x1400;
	s14 =	simm.s32 $0xA100  }
0xa4: {  	[spmem:s2] =	stream.indirect.scatter.add.f32 [tilespmem:s16], [sflag:$0x3], $0x80, s14, s28, $0xb8;
	[tilespmem:$0x1E080] =	vst v63  }
0xa5: {  	s14 =	simm.s32 $0xA180;
	s16 =	simm.s32 $0x1E00  }
0xa6: {  	[spmem:s2] =	stream.indirect.scatter.add.f32 [tilespmem:s16], [sflag:$0x3], $0x80, s14, s28, $0xb8;
	[tilespmem:$0x1E080] =	vst v63  }
0xa7: {  	s14 =	simm.s32 $0xA200;
	s16 =	simm.s32 $0x2800  }
0xa8: {  	[spmem:s2] =	stream.indirect.scatter.add.f32 [tilespmem:s16], [sflag:$0x3], $0x80, s14, s28, $0xb8;
	[tilespmem:$0x1E080] =	vst v63  }
0xa9: {  	s14 =	simm.s32 $0xA280;
	s16 =	simm.s32 $0x3200  }
0xaa: {  	[spmem:s2] =	stream.indirect.scatter.add.f32 [tilespmem:s16], [sflag:$0x3], $0x80, s14, s28, $0xb8;
	[tilespmem:$0x1E080] =	vst v63  }
0xab: {  	s14 =	simm.s32 $0xA300;
	s16 =	simm.s32 $0x3C00  }
0xac: {  	[spmem:s2] =	stream.indirect.scatter.add.f32 [tilespmem:s16], [sflag:$0x3], $0x80, s14, s28, $0xb8;
	[tilespmem:$0x1E080] =	vst v63  }
0xad: {  	s14 =	simm.s32 $0xA380;
	s16 =	simm.s32 $0x4600  }
0xae: {  	[spmem:s2] =	stream.indirect.scatter.add.f32 [tilespmem:s16], [sflag:$0x3], $0x80, s14, s28, $0xb8;
	[tilespmem:$0x1E080] =	vst v63  }
0xaf: {  	_ =	swait.ge [sflag:s24], $0xA00  }
0xb0: {  	[sflag:s24] =	ssyncset.done $0x0  }
0xb1: {  	[sflag:s24] =	ssyncadd.s32 $0xFFFFF600  }
0xb2: {  	_ =	swait.ge [sflag:s24], $0xA00  }
0xb3: {  	[sflag:s24] =	ssyncset.done $0x0  }
0xb4: {  	[sflag:s24] =	ssyncadd.s32 $0xFFFFF600  }
0xb5: {  	_ =	swait.ge [sflag:s24], $0xA00  }
0xb6: {  	[sflag:s24] =	ssyncset.done $0x0  }
0xb7: {  	[sflag:s24] =	ssyncadd.s32 $0xFFFFF600  }
0xb8: {  	_ =	swait.ge [sflag:s24], $0xA00  }
0xb9: {  	[sflag:s24] =	ssyncset.done $0x0  }
0xba: {  	[sflag:s24] =	ssyncadd.s32 $0xFFFFF600  }
0xbb: {  	_ =	swait.ge [sflag:s24], $0xA00  }
0xbc: {  	[sflag:s24] =	ssyncset.done $0x0  }
0xbd: {  	[sflag:s24] =	ssyncadd.s32 $0xFFFFF600  }
0xbe: {  	_ =	swait.ge [sflag:s24], $0xA00  }
0xbf: {  	[sflag:s24] =	ssyncset.done $0x0  }
0xc0: {  	[sflag:s24] =	ssyncadd.s32 $0xFFFFF600  }
0xc1: {  	_ =	swait.ge [sflag:s24], $0xA00  }
0xc2: {  	[sflag:s24] =	ssyncset.done $0x0  }
0xc3: {  	[sflag:s24] =	ssyncadd.s32 $0xFFFFF600  }
0xc4: {  	_ =	swait.ge [sflag:s24], $0xA00  }
0xc5: {  	p3 =	seq.s32 @!p1 s9, $0x1E000;
	[sflag:s24] =	ssyncset.done $0x0  }
0xc6: {  	p3 =	por p1, !p3;
	[sflag:s24] =	ssyncadd.s32 $0xFFFFF600  }
0xc7: {  	s14 =	sshrl.u32 @p3 s10, $0x3;
	s15 =	rddreg @p3 [dreg:$0x0]  }
0xc8: {  	s14 =	sadd.s32 @p3 s15, s14  }
0xc9: {  	[tilespmem:s4], [sflag:$0x1] =	stream.linear.gather @p3 [hbm4b:s14+s4], $0x5000, $0x38;
	[tilespmem:$0x1E080] =	vst v63  }
0xca: {  	s15 =	rddreg @p3 [dreg:$0x5];
	s14 =	sshrl.u32 @p3 s11, $0x3  }
0xcb: {  	s14 =	sadd.s32 @p3 s15, s14  }
0xcc: {  	[tilespmem:s22], [sflag:$0x1] =	stream.linear.gather @p3 [hbm4b:s14+s4], $0x400, $0x38;
	[tilespmem:$0x1E080] =	vst v63  }
0xcd: {  	_ =	swait.ge [sflag:s17], $0x5000  }
0xce: {  	[sflag:s17] =	ssyncset.done $0x0  }
0xcf: {  	[sflag:s17] =	ssyncadd.s32 $0xFFFFB000  }
0xd0: {  	_ =	swait.ge [sflag:s17], $0x400  }
0xd1: {  	[sflag:s17] =	ssyncset.done $0x0  }
0xd2: {  	[sflag:s17] =	ssyncadd.s32 $0xFFFFFC00  }
0xd3: {  	[spmem:s2] =	stream.indirect.scatter.add.f32 [tilespmem:s23], [sflag:$0x3], $0x80, s25, s28, $0xb8;
	[tilespmem:$0x1E080] =	vst v63  }
0xd4: {  	_ = 	snop  }
0xd5: {  	[spmem:s2] =	stream.indirect.scatter.add.f32 [tilespmem:s20], [sflag:$0x3], $0x80, s19, s28, $0xb8;
	[tilespmem:$0x1E080] =	vst v63  }
0xd6: {  	_ = 	snop  }
0xd7: {  	[spmem:s2] =	stream.indirect.scatter.add.f32 [tilespmem:s12], [sflag:$0x3], $0x80, s21, s28, $0xb8;
	[tilespmem:$0x1E080] =	vst v63  }
0xd8: {  	_ = 	snop  }
0xd9: {  	[spmem:s2] =	stream.indirect.scatter.add.f32 [tilespmem:s1], [sflag:$0x3], $0x80, s7, s28, $0xb8;
	[tilespmem:$0x1E080] =	vst v63  }
0xda: {  	_ = 	snop  }
0xdb: {  	[spmem:s2] =	stream.indirect.scatter.add.f32 [tilespmem:s29], [sflag:$0x3], $0x80, s5, s28, $0xb8;
	[tilespmem:$0x1E080] =	vst v63  }
0xdc: {  	_ = 	snop  }
0xdd: {  	[spmem:s2] =	stream.indirect.scatter.add.f32 [tilespmem:s31], [sflag:$0x3], $0x80, s30, s28, $0xb8;
	[tilespmem:$0x1E080] =	vst v63  }
0xde: {  	_ = 	snop  }
0xdf: {  	[spmem:s2] =	stream.indirect.scatter.add.f32 [tilespmem:s3], [sflag:$0x3], $0x80, s0, s28, $0xb8;
	[tilespmem:$0x1E080] =	vst v63  }
0xe0: {  	_ = 	snop  }
0xe1: {  	[spmem:s2] =	stream.indirect.scatter.add.f32 [tilespmem:s8], [sflag:$0x3], $0x80, s6, s28, $0xb8;
	[tilespmem:$0x1E080] =	vst v63  }
0xe2: {  	_ =	swait.ge [sflag:s24], $0xA00  }
0xe3: {  	[sflag:s24] =	ssyncset.done $0x0  }
0xe4: {  	[sflag:s24] =	ssyncadd.s32 $0xFFFFF600  }
0xe5: {  	_ =	swait.ge [sflag:s24], $0xA00  }
0xe6: {  	[sflag:s24] =	ssyncset.done $0x0  }
0xe7: {  	[sflag:s24] =	ssyncadd.s32 $0xFFFFF600  }
0xe8: {  	_ =	swait.ge [sflag:s24], $0xA00  }
0xe9: {  	[sflag:s24] =	ssyncset.done $0x0  }
0xea: {  	[sflag:s24] =	ssyncadd.s32 $0xFFFFF600  }
0xeb: {  	_ =	swait.ge [sflag:s24], $0xA00  }
0xec: {  	[sflag:s24] =	ssyncset.done $0x0  }
0xed: {  	[sflag:s24] =	ssyncadd.s32 $0xFFFFF600  }
0xee: {  	_ =	swait.ge [sflag:s24], $0xA00  }
0xef: {  	[sflag:s24] =	ssyncset.done $0x0  }
0xf0: {  	[sflag:s24] =	ssyncadd.s32 $0xFFFFF600  }
0xf1: {  	_ =	swait.ge [sflag:s24], $0xA00  }
0xf2: {  	[sflag:s24] =	ssyncset.done $0x0  }
0xf3: {  	[sflag:s24] =	ssyncadd.s32 $0xFFFFF600  }
0xf4: {  	s15 =	simm.s32 @p3 $0xA080;
	p3 =	seq.s32 s9, $0x1E000;
	_ =	swait.ge [sflag:s24], $0xA00  }
.Ltmp3:
0xf5: {  	[sflag:s24] =	ssyncset.done $0x0;
	(pc) =	sbr.rel @p3 .LBB2_6-.Ltmp3, $4  }
0xf6: {  	[sflag:s24] =	ssyncadd.s32 $0xFFFFF600  }
0xf7: {  	_ =	swait.ge [sflag:s24], $0xA00  }
0xf8: {  	[sflag:s24] =	ssyncset.done $0x0  }
0xf9: {  	[sflag:s24] =	ssyncadd.s32 $0xFFFFF600  }
.Ltmp4:
0xfa: {  	(pc) =	sbr.rel .LBB2_4-.Ltmp4, $4  }
0xfb: {  	[tilespmem:s23], [sflag:$0x2] =	stream.linear.gather [hbm4b:s13+s4], $0x5000, $0x38;
	[tilespmem:$0x1E080] =	vst v63  }
0xfc: {  	s14 =	sadd.s32 s9, s18;
	s9 =	sadd.s32 $0x1000, s9  }
0xfd: {  	s13 =	sadd.s32 $0x14000, s13;
	s11 =	sadd.s32 $0x8000, s11;
	s10 =	sadd.s32 $0xA0000, s10  }
0xfe: {  	[tilespmem:s25], [sflag:$0x2] =	stream.linear.gather [hbm4b:s14+s4], $0x400, $0x38;
	[tilespmem:$0x1E080] =	vst v63  }
.LBB2_7:
0xff: {  	_ =	sfence.sel $0x180000  }
0x100: {  	[bflag:$0x0] =	sbarrier.arrive $0xFFFF  }
0x101: {  	_ =	strace $0x90000047  }
0x102: {  	s0 =	stileid.u32;
	[bflag:$0x2] =	sbarrier.arrive $0xFFFF  }
0x103: {  	p0 =	sne.s32 s0, $0x0;
	s0 =	rddreg [dreg:$0x4]  }
0x104: {  	s0 =	sadd.s32 @!p0 $0x100000, s0  }
0x105: {  	[sflag:s0] =	ssyncadd.tile.s32 @!p0 $0x1;
	_ =	shalt  }
.Lfunc_end2:
_tile_overlayer_lowered:
.L_overlay_start_2:
0x106: {  	(tag) =	ssettag $0x2  }
0x107: {  	s0 =	rddreg [dreg:$0x0];
	s2 =	stileid.u32  }
0x108: {  	s1 =	rddreg [dreg:$0x1];
	p0 =	sne.s32 s2, $0x0  }
0x109: {  	s3 =	rddreg [dreg:$0x2];
	[bflag:$0x3] =	sbarrier.arrive $0xFFFF;
	s2 =	simm.s32 @!p0 $0x1C04  }
0x10a: {  	[timem:s3], [sflag:s2] =	dma.local @!p0 [hbm:s0], s1  }
0x10b: {  	s0 =	simm.s32 @!p0 $0x4  }
0x10c: {  	_ =	swait.ge @!p0 [sflag:s0], s1  }
0x10d: {  	s1 =	ssub.s32 @!p0 $0x0, s1;
	[sflag:s0] =	ssyncset.done @!p0 $0x0  }
0x10e: {  	[sflag:s0] =	ssyncadd.s32 @!p0 s1  }
0x10f: {  	[bflag:$0x3] =	sbarrier.arrive $0xFFFF  }
0x110: {  	_ =	shalt  }

</sc_bundles>
